<compile_context>
chip_gen: v7x
topology: tpu7x:2x2x1
jax: 0.10.2.dev20260603
libtpu: 0.0.44.dev20260713+nightly
codegen_flags: <defaults>
</compile_context>

<pallas_src>
import functools

import jax
import jax.numpy as jnp
from jax import lax
from jax.experimental import pallas as pl
from jax.experimental.pallas import tpu as pltpu
from jax.experimental.pallas import tpu_sc as plsc

_B, _P, _C, _K = 4, 4096, 64, 16
_R = 512
_R2 = 256
_CH = 128
_HIGHEST = lax.Precision.HIGHEST
_DEFAULT = lax.Precision.DEFAULT


def _leaky(x):
    return jnp.where(x >= 0, x, 0.2 * x)


def _sim_topk_body(nodes_full_ref, nodes_blk_ref, wd_ref, wb_ref, b1_ref,
                   knn_ref, a_ref, nb_ref, nn_ref):
    i = pl.program_id(0)
    x_blk = nodes_blk_ref[...]

    @pl.when(i == 0)
    def _():
        x_full = nodes_full_ref[...]
        ssq = jnp.sum(x_full * x_full, axis=1, keepdims=True)
        nn_ref[...] = x_full / jnp.maximum(jnp.sqrt(ssq), 1e-12)

    nn_full = nn_ref[...]
    nn_blk = nn_ref[pl.ds(i * _R, _R), :]
    sim = lax.dot_general(nn_blk, nn_full, (((1,), (1,)), ((), ())),
                          preferred_element_type=jnp.float32,
                          precision=_DEFAULT)
    col = lax.broadcasted_iota(jnp.int32, (1, _P), 1)
    row = lax.broadcasted_iota(jnp.int32, (_R, 1), 0) + i * _R
    neg_inf = jnp.float32(-jnp.inf)
    run = jnp.where(col == row, neg_inf, sim)
    idxs = []
    for t in range(_K):
        if t > 0:
            run = jnp.where(col == idxs[-1], neg_inf, run)
        idxs.append(jnp.argmax(run, axis=1).astype(jnp.int32)[:, None])
    knn_ref[...] = jnp.concatenate(idxs, axis=1)
    a_ref[...] = lax.dot_general(x_blk, wd_ref[...], (((1,), (0,)), ((), ())),
                                 preferred_element_type=jnp.float32,
                                 precision=_DEFAULT) + b1_ref[...]
    nbv = lax.dot_general(x_blk, wb_ref[...], (((1,), (0,)), ((), ())),
                          preferred_element_type=jnp.float32,
                          precision=_DEFAULT)
    nb_ref[...] = jnp.concatenate([nbv, jnp.zeros((_R, _C), jnp.float32)],
                                  axis=1)


def _sim_topk(nodes_b, wd, wb, b1_2d):
    return pl.pallas_call(
        _sim_topk_body,
        grid=(_P // _R,),
        in_specs=[
            pl.BlockSpec((_P, _C), lambda i: (0, 0)),
            pl.BlockSpec((_R, _C), lambda i: (i, 0)),
            pl.BlockSpec((_C, _C), lambda i: (0, 0)),
            pl.BlockSpec((_C, _C), lambda i: (0, 0)),
            pl.BlockSpec((1, _C), lambda i: (0, 0)),
        ],
        out_specs=[
            pl.BlockSpec((_R, _K), lambda i: (i, 0)),
            pl.BlockSpec((_R, _C), lambda i: (i, 0)),
            pl.BlockSpec((_R, 2 * _C), lambda i: (i, 0)),
        ],
        out_shape=[
            jax.ShapeDtypeStruct((_P, _K), jnp.int32),
            jax.ShapeDtypeStruct((_P, _C), jnp.float32),
            jax.ShapeDtypeStruct((_P, 2 * _C), jnp.float32),
        ],
        scratch_shapes=[pltpu.VMEM((_P, _C), jnp.float32)],
    )(nodes_b, nodes_b, wd, wb, b1_2d)


def _sc_gather(table, idx_flat):
    n = idx_flat.shape[0]
    info = plsc.get_sparse_core_info()
    nw = info.num_cores * info.num_subcores
    per_w = n // nw
    n_ch = per_w // _CH
    mesh = plsc.VectorSubcoreMesh(core_axis_name="c", subcore_axis_name="s")

    @functools.partial(
        pl.kernel, mesh=mesh,
        out_type=jax.ShapeDtypeStruct((n, 2 * _C), jnp.float32),
        scratch_types=[
            pltpu.VMEM((_CH,), jnp.int32),
            pltpu.VMEM((_CH, 2 * _C), jnp.float32),
            pltpu.SemaphoreType.DMA,
        ],
    )
    def k(table_hbm, idx_hbm, out_hbm, idx_v, rows_v, sem):
        wid = lax.axis_index("s") * info.num_cores + lax.axis_index("c")
        base0 = wid * per_w

        @pl.loop(0, n_ch)
        def _(j):
            base = base0 + j * _CH
            pltpu.sync_copy(idx_hbm.at[pl.ds(base, _CH)], idx_v)
            pltpu.async_copy(table_hbm.at[idx_v], rows_v, sem).wait()
            pltpu.sync_copy(rows_v, out_hbm.at[pl.ds(base, _CH)])

    return k(table, idx_flat)


def _mlp_body(a_ref, g_ref, w2t_ref, b2_ref, gamma_ref, beta_ref, o_ref):
    a = a_ref[...]
    acc = jnp.zeros((_R2, _C), jnp.float32)
    for t in range(_K):
        h1 = _leaky(a + g_ref[t][:, :_C])
        z = lax.dot_general(h1, w2t_ref[...], (((1,), (0,)), ((), ())),
                            preferred_element_type=jnp.float32,
                            precision=_DEFAULT) + b2_ref[...]
        acc = acc + _leaky(z)
    agg = acc * (1.0 / _K)
    mu = jnp.mean(agg, axis=1, keepdims=True)
    d = agg - mu
    var = jnp.mean(d * d, axis=1, keepdims=True)
    o_ref[...] = (d / jnp.sqrt(var + 1e-5)) * gamma_ref[...] + beta_ref[...]


def _mlp(a2, g, w2t, b2_2d, gamma_2d, beta_2d):
    npts = a2.shape[0]
    return pl.pallas_call(
        _mlp_body,
        grid=(npts // _R2,),
        in_specs=[
            pl.BlockSpec((_R2, _C), lambda i: (i, 0)),
            pl.BlockSpec((_K, _R2, 2 * _C), lambda i: (0, i, 0)),
            pl.BlockSpec((_C, _C), lambda i: (0, 0)),
            pl.BlockSpec((1, _C), lambda i: (0, 0)),
            pl.BlockSpec((1, _C), lambda i: (0, 0)),
            pl.BlockSpec((1, _C), lambda i: (0, 0)),
        ],
        out_specs=pl.BlockSpec((_R2, _C), lambda i: (i, 0)),
        out_shape=jax.ShapeDtypeStruct((npts, _C), jnp.float32),
    )(a2, g, w2t, b2_2d, gamma_2d, beta_2d)


def kernel(nodes, w1, b1, w2, b2, gamma, beta):
    b_, p_, c_ = nodes.shape
    w1t = w1.T
    wa = w1t[:c_]
    wb = w1t[c_:]
    wd = wa - wb
    b1_2d = b1.reshape(1, c_)
    w2t = w2.T
    b2_2d = b2.reshape(1, c_)
    gamma_2d = gamma.reshape(1, c_)
    beta_2d = beta.reshape(1, c_)
    outs = []
    for b in range(b_):
        knn, a, nb = _sim_topk(nodes[b], wd, wb, b1_2d)
        idx_flat = knn.T.reshape(-1)
        g = _sc_gather(nb, idx_flat)
        g = g.reshape(_K, p_, 2 * c_)
        outs.append(_mlp(a, g, w2t, b2_2d, gamma_2d, beta_2d))
    return jnp.stack(outs, axis=0)

# --- scband reference (transcript-rebuilt; emitter-appended) ---
"""Pipeline reference for scband-graph-construction-40948218200136 (READ-ONLY COPY).

The authoritative reference and input builder live on the scoring server;
editing this copy changes nothing except your own understanding.
"""

import jax, jax.numpy as jnp
import numpy as np

NODE_DIM = 64
K = 16

def setup_inputs(seed: int = 0) -> dict:
    key = jax.random.key(seed)
    ks = jax.random.split(key, 4)
    B, P, C = 4, 4096, NODE_DIM
    nodes = jax.random.normal(ks[0], (B, P, C), dtype=jnp.float32)
    w1 = jax.random.normal(ks[1], (C, 2 * C), dtype=jnp.float32) * (1.0 / np.sqrt(2 * C))
    b1 = jnp.zeros((C,), dtype=jnp.float32)
    w2 = jax.random.normal(ks[2], (C, C), dtype=jnp.float32) * (1.0 / np.sqrt(C))
    b2 = jnp.zeros((C,), dtype=jnp.float32)
    gamma = jnp.ones((C,), dtype=jnp.float32)
    beta = jnp.zeros((C,), dtype=jnp.float32)
    return {"nodes": nodes, "w1": w1, "b1": b1, "w2": w2, "b2": b2, "gamma": gamma, "beta": beta}

def _leaky_relu(x, slope=0.2):
    return jnp.where(x >= 0, x, slope * x)

def reference(nodes, w1, b1, w2, b2, gamma, beta):
    B, P, C = nodes.shape
    k = min(K, P - 1)
    nrm = jnp.linalg.norm(nodes, axis=-1, keepdims=True)
    nodes_norm = nodes / jnp.maximum(nrm, 1e-12)
    sim = jnp.einsum('bpc,bqc->bpq', nodes_norm, nodes_norm)
    eye = jnp.eye(P, dtype=bool)[None, :, :]
    sim = jnp.where(eye, -jnp.inf, sim)
    _, knn_idx = jax.lax.top_k(sim, k)
    b_idx = jnp.arange(B)[:, None, None]
    neighbors = nodes[b_idx, knn_idx]
    center = jnp.broadcast_to(nodes[:, :, None, :], neighbors.shape)
    edge_input = jnp.concatenate([center, neighbors - center], axis=-1)
    h = _leaky_relu(edge_input @ w1.T + b1)
    h = _leaky_relu(h @ w2.T + b2)
    agg = jnp.mean(h, axis=2)
    mu = jnp.mean(agg, axis=-1, keepdims=True)
    var = jnp.var(agg, axis=-1, keepdims=True)
    normed = (agg - mu) / jnp.sqrt(var + 1e-5)
    return normed * gamma + beta

if __name__ == "__main__":
    import jax
    _d = setup_inputs()
    print(jax.jit(kernel)(*tuple(_d.values())))

</pallas_src>

<mosaic_0001>
#map = affine_map<(d0, d1) -> (0, 0)>
#map1 = affine_map<(d0, d1) -> (0)>
module attributes {stable_mosaic.version = 14 : i64} {
  func.func @k(%arg0: i32, %arg1: i32, %arg2: memref<4096x128xf32, #tpu.memory_space<hbm>>, %arg3: memref<65536xi32, #tpu.memory_space<hbm>>, %arg4: memref<65536x128xf32, #tpu.memory_space<hbm>>, %arg5: memref<128xi32, #tpu.memory_space<vmem>>, %arg6: memref<128x128xf32, #tpu.memory_space<vmem>>, %arg7: memref<!tpu.dma_semaphore, #tpu.memory_space<semaphore_mem>>) attributes {dimension_semantics = [#tpu.dimension_semantics<core_parallel>, #tpu.dimension_semantics<subcore_parallel>], iteration_bounds = array<i64: 2, 16>, scalar_prefetch = 0 : i64, scratch_operands = 3 : i64, tpu.core_type = #tpu.core_type<sc_vector_subcore>, window_params = [{transform_indices = #map}, {transform_indices = #map1}, {transform_indices = #map}]} {
    %mul3A = arith.constant 2 : i32
    %mul3A_0 = arith.muli %arg1, %mul3A : i32
    %add3A = arith.addi %mul3A_0, %arg0 : i32
    %mul3A_1 = arith.constant 2048 : i32
    %mul3A_2 = arith.muli %add3A, %mul3A_1 : i32
    %scan3A = arith.constant 0 : i32
    %scan3A_3 = arith.constant 16 : i32
    %scan3A_4 = arith.addi %scan3A, %scan3A_3 : i32
    %scan3A_5 = arith.constant 1 : i32
    scf.for %scan3A_7 = %scan3A to %scan3A_4 step %scan3A_5  : i32 {
      %mul3A_8 = arith.constant 1 : i32
      %mul3A_9 = arith.muli %scan3A_7, %mul3A_8 : i32
      %add3A_10 = arith.constant 0 : i32
      %add3A_11 = arith.addi %add3A_10, %mul3A_9 : i32
      %mul3A_12 = arith.constant 128 : i32
      %mul3A_13 = arith.muli %add3A_11, %mul3A_12 : i32
      %add3A_14 = arith.addi %mul3A_2, %mul3A_13 : i32
      "tpu.region"() ({
        %run_scoped3A = tpu.sem_alloc : memref<!tpu.dma_semaphore, #tpu.memory_space<semaphore_mem>>
        %dma_start3A_19 = tpu.memref_slice %arg3[%add3A_14] : memref<65536xi32, #tpu.memory_space<hbm>> -> memref<128xi32, #tpu.memory_space<hbm>>
        %dma_start3A_20 = tpu.memref_slice %arg3[%add3A_14] : memref<65536xi32, #tpu.memory_space<hbm>> -> memref<128xi32, #tpu.memory_space<hbm>>
        tpu.enqueue_dma source(%dma_start3A_20 : memref<128xi32, #tpu.memory_space<hbm>>) target(%arg5 : memref<128xi32, #tpu.memory_space<vmem>>) target_semaphore(%run_scoped3A : memref<!tpu.dma_semaphore, #tpu.memory_space<semaphore_mem>>)
        %dma_wait3A_21 = tpu.memref_slice %arg3[%add3A_14] : memref<65536xi32, #tpu.memory_space<hbm>> -> memref<128xi32, #tpu.memory_space<hbm>>
        %dma_wait3A_22 = tpu.memref_slice %arg3[%add3A_14] : memref<65536xi32, #tpu.memory_space<hbm>> -> memref<128xi32, #tpu.memory_space<hbm>>
        tpu.wait_dma2 semaphore(%run_scoped3A : memref<!tpu.dma_semaphore, #tpu.memory_space<semaphore_mem>>) src(%dma_wait3A_22 : memref<128xi32, #tpu.memory_space<hbm>>) dst(%arg5 : memref<128xi32, #tpu.memory_space<vmem>>)
        tpu.yield
      }) : () -> ()
      %dma_start3A = arith.constant 0 : i32
      %dma_start3A_15 = arith.constant 0 : i32
      %dma_start3A_16 = tpu.memref_slice %arg2[%dma_start3A, %dma_start3A_15] : memref<4096x128xf32, #tpu.memory_space<hbm>> -> memref<4096x128xf32, #tpu.memory_space<hbm>>
      tpu.enqueue_indirect_dma source(%dma_start3A_16 : memref<4096x128xf32, #tpu.memory_space<hbm>>) target(%arg6 : memref<128x128xf32, #tpu.memory_space<vmem>>) offsets(%arg5 : memref<128xi32, #tpu.memory_space<vmem>>) semaphore(%arg7 : memref<!tpu.dma_semaphore, #tpu.memory_space<semaphore_mem>>)
      %dma_wait3A = arith.constant 0 : i32
      %dma_wait3A_17 = arith.constant 0 : i32
      %dma_wait3A_18 = tpu.memref_slice %arg2[%dma_wait3A, %dma_wait3A_17] : memref<4096x128xf32, #tpu.memory_space<hbm>> -> memref<4096x128xf32, #tpu.memory_space<hbm>>
      tpu.wait_indirect_dma semaphore(%arg7 : memref<!tpu.dma_semaphore, #tpu.memory_space<semaphore_mem>>) src(%dma_wait3A_18 : memref<4096x128xf32, #tpu.memory_space<hbm>>) dst(%arg6 : memref<128x128xf32, #tpu.memory_space<vmem>>)
      "tpu.region"() ({
        %run_scoped3A = tpu.sem_alloc : memref<!tpu.dma_semaphore, #tpu.memory_space<semaphore_mem>>
        %dma_start3A_19 = arith.constant 0 : i32
        %dma_start3A_20 = tpu.memref_slice %arg4[%add3A_14, %dma_start3A_19] : memref<65536x128xf32, #tpu.memory_space<hbm>> -> memref<128x128xf32, #tpu.memory_space<hbm>>
        %dma_start3A_21 = arith.constant 0 : i32
        %dma_start3A_22 = tpu.memref_slice %arg4[%add3A_14, %dma_start3A_21] : memref<65536x128xf32, #tpu.memory_space<hbm>> -> memref<128x128xf32, #tpu.memory_space<hbm>>
        tpu.enqueue_dma source(%arg6 : memref<128x128xf32, #tpu.memory_space<vmem>>) target(%dma_start3A_22 : memref<128x128xf32, #tpu.memory_space<hbm>>) target_semaphore(%run_scoped3A : memref<!tpu.dma_semaphore, #tpu.memory_space<semaphore_mem>>)
        %dma_wait3A_23 = arith.constant 0 : i32
        %dma_wait3A_24 = tpu.memref_slice %arg4[%add3A_14, %dma_wait3A_23] : memref<65536x128xf32, #tpu.memory_space<hbm>> -> memref<128x128xf32, #tpu.memory_space<hbm>>
        %dma_wait3A_25 = arith.constant 0 : i32
        %dma_wait3A_26 = tpu.memref_slice %arg4[%add3A_14, %dma_wait3A_25] : memref<65536x128xf32, #tpu.memory_space<hbm>> -> memref<128x128xf32, #tpu.memory_space<hbm>>
        tpu.wait_dma2 semaphore(%run_scoped3A : memref<!tpu.dma_semaphore, #tpu.memory_space<semaphore_mem>>) src(%arg6 : memref<128x128xf32, #tpu.memory_space<vmem>>) dst(%dma_wait3A_26 : memref<128x128xf32, #tpu.memory_space<hbm>>)
        tpu.yield
      }) : () -> ()
    }
    %scan3A_6 = arith.constant 16 : i32
    return
  }
}

#map = affine_map<(d0, d1) -> (0, 0)>
#map1 = affine_map<(d0, d1) -> (0)>
module attributes {stable_mosaic.version = 14 : i64} {
  func.func @k(%arg0: i32, %arg1: i32, %arg2: memref<4096x128xf32, #tpu.memory_space<hbm>>, %arg3: memref<65536xi32, #tpu.memory_space<hbm>>, %arg4: memref<65536x128xf32, #tpu.memory_space<hbm>>, %arg5: memref<128xi32, #tpu.memory_space<vmem>>, %arg6: memref<128x128xf32, #tpu.memory_space<vmem>>, %arg7: memref<!tpu.dma_semaphore, #tpu.memory_space<semaphore_mem>>) attributes {dimension_semantics = [#tpu.dimension_semantics<core_parallel>, #tpu.dimension_semantics<subcore_parallel>], iteration_bounds = array<i64: 2, 16>, scalar_prefetch = 0 : i64, scratch_operands = 3 : i64, tpu.core_type = #tpu.core_type<sc_vector_subcore>, window_params = [{transform_indices = #map}, {transform_indices = #map1}, {transform_indices = #map}]} {
    %mul3A = arith.constant 2 : i32
    %mul3A_0 = arith.muli %arg1, %mul3A : i32
    %add3A = arith.addi %mul3A_0, %arg0 : i32
    %mul3A_1 = arith.constant 2048 : i32
    %mul3A_2 = arith.muli %add3A, %mul3A_1 : i32
    %scan3A = arith.constant 0 : i32
    %scan3A_3 = arith.constant 16 : i32
    %scan3A_4 = arith.addi %scan3A, %scan3A_3 : i32
    %scan3A_5 = arith.constant 1 : i32
    scf.for %scan3A_7 = %scan3A to %scan3A_4 step %scan3A_5  : i32 {
      %mul3A_8 = arith.constant 1 : i32
      %mul3A_9 = arith.muli %scan3A_7, %mul3A_8 : i32
      %add3A_10 = arith.constant 0 : i32
      %add3A_11 = arith.addi %add3A_10, %mul3A_9 : i32
      %mul3A_12 = arith.constant 128 : i32
      %mul3A_13 = arith.muli %add3A_11, %mul3A_12 : i32
      %add3A_14 = arith.addi %mul3A_2, %mul3A_13 : i32
      "tpu.region"() ({
        %run_scoped3A = tpu.sem_alloc : memref<!tpu.dma_semaphore, #tpu.memory_space<semaphore_mem>>
        %dma_start3A_19 = tpu.memref_slice %arg3[%add3A_14] : memref<65536xi32, #tpu.memory_space<hbm>> -> memref<128xi32, #tpu.memory_space<hbm>>
        %dma_start3A_20 = tpu.memref_slice %arg3[%add3A_14] : memref<65536xi32, #tpu.memory_space<hbm>> -> memref<128xi32, #tpu.memory_space<hbm>>
        tpu.enqueue_dma source(%dma_start3A_20 : memref<128xi32, #tpu.memory_space<hbm>>) target(%arg5 : memref<128xi32, #tpu.memory_space<vmem>>) target_semaphore(%run_scoped3A : memref<!tpu.dma_semaphore, #tpu.memory_space<semaphore_mem>>)
        %dma_wait3A_21 = tpu.memref_slice %arg3[%add3A_14] : memref<65536xi32, #tpu.memory_space<hbm>> -> memref<128xi32, #tpu.memory_space<hbm>>
        %dma_wait3A_22 = tpu.memref_slice %arg3[%add3A_14] : memref<65536xi32, #tpu.memory_space<hbm>> -> memref<128xi32, #tpu.memory_space<hbm>>
        tpu.wait_dma2 semaphore(%run_scoped3A : memref<!tpu.dma_semaphore, #tpu.memory_space<semaphore_mem>>) src(%dma_wait3A_22 : memref<128xi32, #tpu.memory_space<hbm>>) dst(%arg5 : memref<128xi32, #tpu.memory_space<vmem>>)
        tpu.yield
      }) : () -> ()
      %dma_start3A = arith.constant 0 : i32
      %dma_start3A_15 = arith.constant 0 : i32
      %dma_start3A_16 = tpu.memref_slice %arg2[%dma_start3A, %dma_start3A_15] : memref<4096x128xf32, #tpu.memory_space<hbm>> -> memref<4096x128xf32, #tpu.memory_space<hbm>>
      tpu.enqueue_indirect_dma source(%dma_start3A_16 : memref<4096x128xf32, #tpu.memory_space<hbm>>) target(%arg6 : memref<128x128xf32, #tpu.memory_space<vmem>>) offsets(%arg5 : memref<128xi32, #tpu.memory_space<vmem>>) semaphore(%arg7 : memref<!tpu.dma_semaphore, #tpu.memory_space<semaphore_mem>>)
      %dma_wait3A = arith.constant 0 : i32
      %dma_wait3A_17 = arith.constant 0 : i32
      %dma_wait3A_18 = tpu.memref_slice %arg2[%dma_wait3A, %dma_wait3A_17] : memref<4096x128xf32, #tpu.memory_space<hbm>> -> memref<4096x128xf32, #tpu.memory_space<hbm>>
      tpu.wait_indirect_dma semaphore(%arg7 : memref<!tpu.dma_semaphore, #tpu.memory_space<semaphore_mem>>) src(%dma_wait3A_18 : memref<4096x128xf32, #tpu.memory_space<hbm>>) dst(%arg6 : memref<128x128xf32, #tpu.memory_space<vmem>>)
      "tpu.region"() ({
        %run_scoped3A = tpu.sem_alloc : memref<!tpu.dma_semaphore, #tpu.memory_space<semaphore_mem>>
        %dma_start3A_19 = arith.constant 0 : i32
        %dma_start3A_20 = tpu.memref_slice %arg4[%add3A_14, %dma_start3A_19] : memref<65536x128xf32, #tpu.memory_space<hbm>> -> memref<128x128xf32, #tpu.memory_space<hbm>>
        %dma_start3A_21 = arith.constant 0 : i32
        %dma_start3A_22 = tpu.memref_slice %arg4[%add3A_14, %dma_start3A_21] : memref<65536x128xf32, #tpu.memory_space<hbm>> -> memref<128x128xf32, #tpu.memory_space<hbm>>
        tpu.enqueue_dma source(%arg6 : memref<128x128xf32, #tpu.memory_space<vmem>>) target(%dma_start3A_22 : memref<128x128xf32, #tpu.memory_space<hbm>>) target_semaphore(%run_scoped3A : memref<!tpu.dma_semaphore, #tpu.memory_space<semaphore_mem>>)
        %dma_wait3A_23 = arith.constant 0 : i32
        %dma_wait3A_24 = tpu.memref_slice %arg4[%add3A_14, %dma_wait3A_23] : memref<65536x128xf32, #tpu.memory_space<hbm>> -> memref<128x128xf32, #tpu.memory_space<hbm>>
        %dma_wait3A_25 = arith.constant 0 : i32
        %dma_wait3A_26 = tpu.memref_slice %arg4[%add3A_14, %dma_wait3A_25] : memref<65536x128xf32, #tpu.memory_space<hbm>> -> memref<128x128xf32, #tpu.memory_space<hbm>>
        tpu.wait_dma2 semaphore(%run_scoped3A : memref<!tpu.dma_semaphore, #tpu.memory_space<semaphore_mem>>) src(%arg6 : memref<128x128xf32, #tpu.memory_space<vmem>>) dst(%dma_wait3A_26 : memref<128x128xf32, #tpu.memory_space<hbm>>)
        tpu.yield
      }) : () -> ()
    }
    %scan3A_6 = arith.constant 16 : i32
    return
  }
}

#map = affine_map<(d0, d1) -> (0, 0)>
#map1 = affine_map<(d0, d1) -> (0)>
module attributes {stable_mosaic.version = 14 : i64} {
  func.func @k(%arg0: i32, %arg1: i32, %arg2: memref<4096x128xf32, #tpu.memory_space<hbm>>, %arg3: memref<65536xi32, #tpu.memory_space<hbm>>, %arg4: memref<65536x128xf32, #tpu.memory_space<hbm>>, %arg5: memref<128xi32, #tpu.memory_space<vmem>>, %arg6: memref<128x128xf32, #tpu.memory_space<vmem>>, %arg7: memref<!tpu.dma_semaphore, #tpu.memory_space<semaphore_mem>>) attributes {dimension_semantics = [#tpu.dimension_semantics<core_parallel>, #tpu.dimension_semantics<subcore_parallel>], iteration_bounds = array<i64: 2, 16>, scalar_prefetch = 0 : i64, scratch_operands = 3 : i64, tpu.core_type = #tpu.core_type<sc_vector_subcore>, window_params = [{transform_indices = #map}, {transform_indices = #map1}, {transform_indices = #map}]} {
    %mul3A = arith.constant 2 : i32
    %mul3A_0 = arith.muli %arg1, %mul3A : i32
    %add3A = arith.addi %mul3A_0, %arg0 : i32
    %mul3A_1 = arith.constant 2048 : i32
    %mul3A_2 = arith.muli %add3A, %mul3A_1 : i32
    %scan3A = arith.constant 0 : i32
    %scan3A_3 = arith.constant 16 : i32
    %scan3A_4 = arith.addi %scan3A, %scan3A_3 : i32
    %scan3A_5 = arith.constant 1 : i32
    scf.for %scan3A_7 = %scan3A to %scan3A_4 step %scan3A_5  : i32 {
      %mul3A_8 = arith.constant 1 : i32
      %mul3A_9 = arith.muli %scan3A_7, %mul3A_8 : i32
      %add3A_10 = arith.constant 0 : i32
      %add3A_11 = arith.addi %add3A_10, %mul3A_9 : i32
      %mul3A_12 = arith.constant 128 : i32
      %mul3A_13 = arith.muli %add3A_11, %mul3A_12 : i32
      %add3A_14 = arith.addi %mul3A_2, %mul3A_13 : i32
      "tpu.region"() ({
        %run_scoped3A = tpu.sem_alloc : memref<!tpu.dma_semaphore, #tpu.memory_space<semaphore_mem>>
        %dma_start3A_19 = tpu.memref_slice %arg3[%add3A_14] : memref<65536xi32, #tpu.memory_space<hbm>> -> memref<128xi32, #tpu.memory_space<hbm>>
        %dma_start3A_20 = tpu.memref_slice %arg3[%add3A_14] : memref<65536xi32, #tpu.memory_space<hbm>> -> memref<128xi32, #tpu.memory_space<hbm>>
        tpu.enqueue_dma source(%dma_start3A_20 : memref<128xi32, #tpu.memory_space<hbm>>) target(%arg5 : memref<128xi32, #tpu.memory_space<vmem>>) target_semaphore(%run_scoped3A : memref<!tpu.dma_semaphore, #tpu.memory_space<semaphore_mem>>)
        %dma_wait3A_21 = tpu.memref_slice %arg3[%add3A_14] : memref<65536xi32, #tpu.memory_space<hbm>> -> memref<128xi32, #tpu.memory_space<hbm>>
        %dma_wait3A_22 = tpu.memref_slice %arg3[%add3A_14] : memref<65536xi32, #tpu.memory_space<hbm>> -> memref<128xi32, #tpu.memory_space<hbm>>
        tpu.wait_dma2 semaphore(%run_scoped3A : memref<!tpu.dma_semaphore, #tpu.memory_space<semaphore_mem>>) src(%dma_wait3A_22 : memref<128xi32, #tpu.memory_space<hbm>>) dst(%arg5 : memref<128xi32, #tpu.memory_space<vmem>>)
        tpu.yield
      }) : () -> ()
      %dma_start3A = arith.constant 0 : i32
      %dma_start3A_15 = arith.constant 0 : i32
      %dma_start3A_16 = tpu.memref_slice %arg2[%dma_start3A, %dma_start3A_15] : memref<4096x128xf32, #tpu.memory_space<hbm>> -> memref<4096x128xf32, #tpu.memory_space<hbm>>
      tpu.enqueue_indirect_dma source(%dma_start3A_16 : memref<4096x128xf32, #tpu.memory_space<hbm>>) target(%arg6 : memref<128x128xf32, #tpu.memory_space<vmem>>) offsets(%arg5 : memref<128xi32, #tpu.memory_space<vmem>>) semaphore(%arg7 : memref<!tpu.dma_semaphore, #tpu.memory_space<semaphore_mem>>)
      %dma_wait3A = arith.constant 0 : i32
      %dma_wait3A_17 = arith.constant 0 : i32
      %dma_wait3A_18 = tpu.memref_slice %arg2[%dma_wait3A, %dma_wait3A_17] : memref<4096x128xf32, #tpu.memory_space<hbm>> -> memref<4096x128xf32, #tpu.memory_space<hbm>>
      tpu.wait_indirect_dma semaphore(%arg7 : memref<!tpu.dma_semaphore, #tpu.memory_space<semaphore_mem>>) src(%dma_wait3A_18 : memref<4096x128xf32, #tpu.memory_space<hbm>>) dst(%arg6 : memref<128x128xf32, #tpu.memory_space<vmem>>)
      "tpu.region"() ({
        %run_scoped3A = tpu.sem_alloc : memref<!tpu.dma_semaphore, #tpu.memory_space<semaphore_mem>>
        %dma_start3A_19 = arith.constant 0 : i32
        %dma_start3A_20 = tpu.memref_slice %arg4[%add3A_14, %dma_start3A_19] : memref<65536x128xf32, #tpu.memory_space<hbm>> -> memref<128x128xf32, #tpu.memory_space<hbm>>
        %dma_start3A_21 = arith.constant 0 : i32
        %dma_start3A_22 = tpu.memref_slice %arg4[%add3A_14, %dma_start3A_21] : memref<65536x128xf32, #tpu.memory_space<hbm>> -> memref<128x128xf32, #tpu.memory_space<hbm>>
        tpu.enqueue_dma source(%arg6 : memref<128x128xf32, #tpu.memory_space<vmem>>) target(%dma_start3A_22 : memref<128x128xf32, #tpu.memory_space<hbm>>) target_semaphore(%run_scoped3A : memref<!tpu.dma_semaphore, #tpu.memory_space<semaphore_mem>>)
        %dma_wait3A_23 = arith.constant 0 : i32
        %dma_wait3A_24 = tpu.memref_slice %arg4[%add3A_14, %dma_wait3A_23] : memref<65536x128xf32, #tpu.memory_space<hbm>> -> memref<128x128xf32, #tpu.memory_space<hbm>>
        %dma_wait3A_25 = arith.constant 0 : i32
        %dma_wait3A_26 = tpu.memref_slice %arg4[%add3A_14, %dma_wait3A_25] : memref<65536x128xf32, #tpu.memory_space<hbm>> -> memref<128x128xf32, #tpu.memory_space<hbm>>
        tpu.wait_dma2 semaphore(%run_scoped3A : memref<!tpu.dma_semaphore, #tpu.memory_space<semaphore_mem>>) src(%arg6 : memref<128x128xf32, #tpu.memory_space<vmem>>) dst(%dma_wait3A_26 : memref<128x128xf32, #tpu.memory_space<hbm>>)
        tpu.yield
      }) : () -> ()
    }
    %scan3A_6 = arith.constant 16 : i32
    return
  }
}

#map = affine_map<(d0, d1) -> (0, 0)>
#map1 = affine_map<(d0, d1) -> (0)>
module attributes {stable_mosaic.version = 14 : i64} {
  func.func @k(%arg0: i32, %arg1: i32, %arg2: memref<4096x128xf32, #tpu.memory_space<hbm>>, %arg3: memref<65536xi32, #tpu.memory_space<hbm>>, %arg4: memref<65536x128xf32, #tpu.memory_space<hbm>>, %arg5: memref<128xi32, #tpu.memory_space<vmem>>, %arg6: memref<128x128xf32, #tpu.memory_space<vmem>>, %arg7: memref<!tpu.dma_semaphore, #tpu.memory_space<semaphore_mem>>) attributes {dimension_semantics = [#tpu.dimension_semantics<core_parallel>, #tpu.dimension_semantics<subcore_parallel>], iteration_bounds = array<i64: 2, 16>, scalar_prefetch = 0 : i64, scratch_operands = 3 : i64, tpu.core_type = #tpu.core_type<sc_vector_subcore>, window_params = [{transform_indices = #map}, {transform_indices = #map1}, {transform_indices = #map}]} {
    %mul3A = arith.constant 2 : i32
    %mul3A_0 = arith.muli %arg1, %mul3A : i32
    %add3A = arith.addi %mul3A_0, %arg0 : i32
    %mul3A_1 = arith.constant 2048 : i32
    %mul3A_2 = arith.muli %add3A, %mul3A_1 : i32
    %scan3A = arith.constant 0 : i32
    %scan3A_3 = arith.constant 16 : i32
    %scan3A_4 = arith.addi %scan3A, %scan3A_3 : i32
    %scan3A_5 = arith.constant 1 : i32
    scf.for %scan3A_7 = %scan3A to %scan3A_4 step %scan3A_5  : i32 {
      %mul3A_8 = arith.constant 1 : i32
      %mul3A_9 = arith.muli %scan3A_7, %mul3A_8 : i32
      %add3A_10 = arith.constant 0 : i32
      %add3A_11 = arith.addi %add3A_10, %mul3A_9 : i32
      %mul3A_12 = arith.constant 128 : i32
      %mul3A_13 = arith.muli %add3A_11, %mul3A_12 : i32
      %add3A_14 = arith.addi %mul3A_2, %mul3A_13 : i32
      "tpu.region"() ({
        %run_scoped3A = tpu.sem_alloc : memref<!tpu.dma_semaphore, #tpu.memory_space<semaphore_mem>>
        %dma_start3A_19 = tpu.memref_slice %arg3[%add3A_14] : memref<65536xi32, #tpu.memory_space<hbm>> -> memref<128xi32, #tpu.memory_space<hbm>>
        %dma_start3A_20 = tpu.memref_slice %arg3[%add3A_14] : memref<65536xi32, #tpu.memory_space<hbm>> -> memref<128xi32, #tpu.memory_space<hbm>>
        tpu.enqueue_dma source(%dma_start3A_20 : memref<128xi32, #tpu.memory_space<hbm>>) target(%arg5 : memref<128xi32, #tpu.memory_space<vmem>>) target_semaphore(%run_scoped3A : memref<!tpu.dma_semaphore, #tpu.memory_space<semaphore_mem>>)
        %dma_wait3A_21 = tpu.memref_slice %arg3[%add3A_14] : memref<65536xi32, #tpu.memory_space<hbm>> -> memref<128xi32, #tpu.memory_space<hbm>>
        %dma_wait3A_22 = tpu.memref_slice %arg3[%add3A_14] : memref<65536xi32, #tpu.memory_space<hbm>> -> memref<128xi32, #tpu.memory_space<hbm>>
        tpu.wait_dma2 semaphore(%run_scoped3A : memref<!tpu.dma_semaphore, #tpu.memory_space<semaphore_mem>>) src(%dma_wait3A_22 : memref<128xi32, #tpu.memory_space<hbm>>) dst(%arg5 : memref<128xi32, #tpu.memory_space<vmem>>)
        tpu.yield
      }) : () -> ()
      %dma_start3A = arith.constant 0 : i32
      %dma_start3A_15 = arith.constant 0 : i32
      %dma_start3A_16 = tpu.memref_slice %arg2[%dma_start3A, %dma_start3A_15] : memref<4096x128xf32, #tpu.memory_space<hbm>> -> memref<4096x128xf32, #tpu.memory_space<hbm>>
      tpu.enqueue_indirect_dma source(%dma_start3A_16 : memref<4096x128xf32, #tpu.memory_space<hbm>>) target(%arg6 : memref<128x128xf32, #tpu.memory_space<vmem>>) offsets(%arg5 : memref<128xi32, #tpu.memory_space<vmem>>) semaphore(%arg7 : memref<!tpu.dma_semaphore, #tpu.memory_space<semaphore_mem>>)
      %dma_wait3A = arith.constant 0 : i32
      %dma_wait3A_17 = arith.constant 0 : i32
      %dma_wait3A_18 = tpu.memref_slice %arg2[%dma_wait3A, %dma_wait3A_17] : memref<4096x128xf32, #tpu.memory_space<hbm>> -> memref<4096x128xf32, #tpu.memory_space<hbm>>
      tpu.wait_indirect_dma semaphore(%arg7 : memref<!tpu.dma_semaphore, #tpu.memory_space<semaphore_mem>>) src(%dma_wait3A_18 : memref<4096x128xf32, #tpu.memory_space<hbm>>) dst(%arg6 : memref<128x128xf32, #tpu.memory_space<vmem>>)
      "tpu.region"() ({
        %run_scoped3A = tpu.sem_alloc : memref<!tpu.dma_semaphore, #tpu.memory_space<semaphore_mem>>
        %dma_start3A_19 = arith.constant 0 : i32
        %dma_start3A_20 = tpu.memref_slice %arg4[%add3A_14, %dma_start3A_19] : memref<65536x128xf32, #tpu.memory_space<hbm>> -> memref<128x128xf32, #tpu.memory_space<hbm>>
        %dma_start3A_21 = arith.constant 0 : i32
        %dma_start3A_22 = tpu.memref_slice %arg4[%add3A_14, %dma_start3A_21] : memref<65536x128xf32, #tpu.memory_space<hbm>> -> memref<128x128xf32, #tpu.memory_space<hbm>>
        tpu.enqueue_dma source(%arg6 : memref<128x128xf32, #tpu.memory_space<vmem>>) target(%dma_start3A_22 : memref<128x128xf32, #tpu.memory_space<hbm>>) target_semaphore(%run_scoped3A : memref<!tpu.dma_semaphore, #tpu.memory_space<semaphore_mem>>)
        %dma_wait3A_23 = arith.constant 0 : i32
        %dma_wait3A_24 = tpu.memref_slice %arg4[%add3A_14, %dma_wait3A_23] : memref<65536x128xf32, #tpu.memory_space<hbm>> -> memref<128x128xf32, #tpu.memory_space<hbm>>
        %dma_wait3A_25 = arith.constant 0 : i32
        %dma_wait3A_26 = tpu.memref_slice %arg4[%add3A_14, %dma_wait3A_25] : memref<65536x128xf32, #tpu.memory_space<hbm>> -> memref<128x128xf32, #tpu.memory_space<hbm>>
        tpu.wait_dma2 semaphore(%run_scoped3A : memref<!tpu.dma_semaphore, #tpu.memory_space<semaphore_mem>>) src(%arg6 : memref<128x128xf32, #tpu.memory_space<vmem>>) dst(%dma_wait3A_26 : memref<128x128xf32, #tpu.memory_space<hbm>>)
        tpu.yield
      }) : () -> ()
    }
    %scan3A_6 = arith.constant 16 : i32
    return
  }
}

module attributes {stable_mosaic.version = 14 : i64} {
  func.func @_sim_topk_body(%arg0: i32, %arg1: memref<4096x64xf32, #tpu.memory_space<vmem>>, %arg2: memref<512x64xf32, #tpu.memory_space<vmem>>, %arg3: memref<64x64xf32, #tpu.memory_space<vmem>>, %arg4: memref<64x64xf32, #tpu.memory_space<vmem>>, %arg5: memref<1x64xf32, #tpu.memory_space<vmem>>, %arg6: memref<512x16xi32, #tpu.memory_space<vmem>>, %arg7: memref<512x64xf32, #tpu.memory_space<vmem>>, %arg8: memref<512x128xf32, #tpu.memory_space<vmem>>, %arg9: memref<4096x64xf32, #tpu.memory_space<vmem>>) attributes {dimension_semantics = [#tpu.dimension_semantics<arbitrary>], iteration_bounds = array<i64: 8>, scalar_prefetch = 0 : i64, scratch_operands = 1 : i64, tpu.core_type = #tpu.core_type<tc>, window_params = [{pipeline_mode = #tpu.pipeline_mode<synchronous>, transform_indices = @transform_0, window_bounds = array<i64: 4096, 64>}, {transform_indices = @transform_1, window_bounds = array<i64: 512, 64>}, {pipeline_mode = #tpu.pipeline_mode<synchronous>, transform_indices = @transform_2, window_bounds = array<i64: 64, 64>}, {pipeline_mode = #tpu.pipeline_mode<synchronous>, transform_indices = @transform_3, window_bounds = array<i64: 64, 64>}, {pipeline_mode = #tpu.pipeline_mode<synchronous>, transform_indices = @transform_4, window_bounds = array<i64: 1, 64>}, {transform_indices = @transform_5, window_bounds = array<i64: 512, 16>}, {transform_indices = @transform_6, window_bounds = array<i64: 512, 64>}, {transform_indices = @transform_7, window_bounds = array<i64: 512, 128>}]} {
    %get3A = arith.constant 0 : index
    %get3A_0 = arith.constant 0 : index
    %get3A_1 = vector.load %arg2[%get3A, %get3A_0] : memref<512x64xf32, #tpu.memory_space<vmem>>, vector<512x64xf32>
    %eq3A = arith.constant 0 : i32
    %eq3A_2 = arith.cmpi eq, %arg0, %eq3A : i32
    %convert_element_type3A = arith.extui %eq3A_2 : i1 to i32
    %cond3A = arith.constant 0 : i32
    %cond3A_3 = arith.cmpi ne, %convert_element_type3A, %cond3A : i32
    scf.if %cond3A_3 {
      %get3A_166 = arith.constant 0 : index
      %get3A_167 = arith.constant 0 : index
      %get3A_168 = vector.load %arg1[%get3A_166, %get3A_167] : memref<4096x64xf32, #tpu.memory_space<vmem>>, vector<4096x64xf32>
      %mul3A_169 = arith.mulf %get3A_168, %get3A_168 : vector<4096x64xf32>
      %reduce_sum3A = arith.constant dense<0.000000e+00> : vector<4096xf32>
      %reduce_sum3A_170 = vector.multi_reduction <add>, %mul3A_169, %reduce_sum3A [1] : vector<4096x64xf32> to vector<4096xf32>
      %broadcast_in_dim3A_171 = vector.shape_cast %reduce_sum3A_170 : vector<4096xf32> to vector<4096x1xf32>
      %sqrt3A = math.sqrt %broadcast_in_dim3A_171 : vector<4096x1xf32>
      %max3A = arith.constant 9.99999996E-13 : f32
      %max3A_172 = vector.broadcast %max3A : f32 to vector<4096x1xf32>
      %max3A_173 = arith.maximumf %sqrt3A, %max3A_172 : vector<4096x1xf32>
      %div3A = vector.broadcast %max3A_173 : vector<4096x1xf32> to vector<4096x64xf32>
      %div3A_174 = arith.divf %get3A_168, %div3A : vector<4096x64xf32>
      %swap3A_175 = arith.constant 0 : index
      %swap3A_176 = arith.constant 0 : index
      %swap3A_177 = vector.load %arg9[%swap3A_175, %swap3A_176] : memref<4096x64xf32, #tpu.memory_space<vmem>>, vector<4096x64xf32>
      tpu.vector_store %arg9[%swap3A_175, %swap3A_176], %div3A_174 {strides = array<i32>} : memref<4096x64xf32, #tpu.memory_space<vmem>>, vector<4096x64xf32>,
    } else {
    }
    %get3A_4 = arith.constant 0 : index
    %get3A_5 = arith.constant 0 : index
    %get3A_6 = vector.load %arg9[%get3A_4, %get3A_5] : memref<4096x64xf32, #tpu.memory_space<vmem>>, vector<4096x64xf32>
    %mul3A = arith.constant 512 : i32
    %mul3A_7 = arith.muli %arg0, %mul3A : i32
    %get3A_8 = arith.index_cast %mul3A_7 : i32 to index
    %get3A_9 = arith.constant 0 : index
    %get3A_10 = vector.load %arg9[%get3A_8, %get3A_9] : memref<4096x64xf32, #tpu.memory_space<vmem>>, vector<512x64xf32>
    %dot_general3A = arith.constant dense<0.000000e+00> : vector<512x4096xf32>
    %dot_general3A_11 = tpu.matmul %get3A_10, %get3A_6, %dot_general3A {dimension_numbers = #tpu.dot_dimension_numbers<[1], [1], [0], [0], [0, 0, 1, 0], [], []>, transpose_lhs_hint = false} : vector<512x64xf32>, vector<4096x64xf32>, vector<512x4096xf32> -> vector<512x4096xf32>
    %iota3A = tpu.iota {dimensions = array<i32: 1>} : vector<1x4096xi32>
    %iota3A_12 = tpu.iota {dimensions = array<i32: 0>} : vector<512x1xi32>
    %mul3A_13 = arith.constant 512 : i32
    %mul3A_14 = arith.muli %arg0, %mul3A_13 : i32
    %add3A = vector.broadcast %mul3A_14 : i32 to vector<512x1xi32>
    %add3A_15 = arith.addi %iota3A_12, %add3A : vector<512x1xi32>
    %eq3A_16 = vector.broadcast %iota3A : vector<1x4096xi32> to vector<512x4096xi32>
    %eq3A_17 = vector.broadcast %add3A_15 : vector<512x1xi32> to vector<512x4096xi32>
    %eq3A_18 = arith.cmpi eq, %eq3A_16, %eq3A_17 : vector<512x4096xi32>
    %jit3A = arith.constant 0xFF800000 : f32
    %broadcast_in_dim3A = vector.broadcast %jit3A : f32 to vector<512x4096xf32>
    %select_n3A = arith.select %eq3A_18, %broadcast_in_dim3A, %dot_general3A_11 : vector<512x4096xi1>, vector<512x4096xf32>
    %argmax3A = tpu.reduce_index %select_n3A {axis = 1 : i32, kind = #tpu.reduction_kind<arg_max>} : vector<512x4096xf32> -> vector<512xi32>
    %broadcast_in_dim3A_19 = vector.shape_cast %argmax3A : vector<512xi32> to vector<512x1xi32>
    %eq3A_20 = vector.broadcast %iota3A : vector<1x4096xi32> to vector<512x4096xi32>
    %eq3A_21 = vector.broadcast %broadcast_in_dim3A_19 : vector<512x1xi32> to vector<512x4096xi32>
    %eq3A_22 = arith.cmpi eq, %eq3A_20, %eq3A_21 : vector<512x4096xi32>
    %jit3A_23 = arith.constant 0xFF800000 : f32
    %broadcast_in_dim3A_24 = vector.broadcast %jit3A_23 : f32 to vector<512x4096xf32>
    %select_n3A_25 = arith.select %eq3A_22, %broadcast_in_dim3A_24, %select_n3A : vector<512x4096xi1>, vector<512x4096xf32>
    %argmax3A_26 = tpu.reduce_index %select_n3A_25 {axis = 1 : i32, kind = #tpu.reduction_kind<arg_max>} : vector<512x4096xf32> -> vector<512xi32>
    %broadcast_in_dim3A_27 = vector.shape_cast %argmax3A_26 : vector<512xi32> to vector<512x1xi32>
    %eq3A_28 = vector.broadcast %iota3A : vector<1x4096xi32> to vector<512x4096xi32>
    %eq3A_29 = vector.broadcast %broadcast_in_dim3A_27 : vector<512x1xi32> to vector<512x4096xi32>
    %eq3A_30 = arith.cmpi eq, %eq3A_28, %eq3A_29 : vector<512x4096xi32>
    %jit3A_31 = arith.constant 0xFF800000 : f32
    %broadcast_in_dim3A_32 = vector.broadcast %jit3A_31 : f32 to vector<512x4096xf32>
    %select_n3A_33 = arith.select %eq3A_30, %broadcast_in_dim3A_32, %select_n3A_25 : vector<512x4096xi1>, vector<512x4096xf32>
    %argmax3A_34 = tpu.reduce_index %select_n3A_33 {axis = 1 : i32, kind = #tpu.reduction_kind<arg_max>} : vector<512x4096xf32> -> vector<512xi32>
    %broadcast_in_dim3A_35 = vector.shape_cast %argmax3A_34 : vector<512xi32> to vector<512x1xi32>
    %eq3A_36 = vector.broadcast %iota3A : vector<1x4096xi32> to vector<512x4096xi32>
    %eq3A_37 = vector.broadcast %broadcast_in_dim3A_35 : vector<512x1xi32> to vector<512x4096xi32>
    %eq3A_38 = arith.cmpi eq, %eq3A_36, %eq3A_37 : vector<512x4096xi32>
    %jit3A_39 = arith.constant 0xFF800000 : f32
    %broadcast_in_dim3A_40 = vector.broadcast %jit3A_39 : f32 to vector<512x4096xf32>
    %select_n3A_41 = arith.select %eq3A_38, %broadcast_in_dim3A_40, %select_n3A_33 : vector<512x4096xi1>, vector<512x4096xf32>
    %argmax3A_42 = tpu.reduce_index %select_n3A_41 {axis = 1 : i32, kind = #tpu.reduction_kind<arg_max>} : vector<512x4096xf32> -> vector<512xi32>
    %broadcast_in_dim3A_43 = vector.shape_cast %argmax3A_42 : vector<512xi32> to vector<512x1xi32>
    %eq3A_44 = vector.broadcast %iota3A : vector<1x4096xi32> to vector<512x4096xi32>
    %eq3A_45 = vector.broadcast %broadcast_in_dim3A_43 : vector<512x1xi32> to vector<512x4096xi32>
    %eq3A_46 = arith.cmpi eq, %eq3A_44, %eq3A_45 : vector<512x4096xi32>
    %jit3A_47 = arith.constant 0xFF800000 : f32
    %broadcast_in_dim3A_48 = vector.broadcast %jit3A_47 : f32 to vector<512x4096xf32>
    %select_n3A_49 = arith.select %eq3A_46, %broadcast_in_dim3A_48, %select_n3A_41 : vector<512x4096xi1>, vector<512x4096xf32>
    %argmax3A_50 = tpu.reduce_index %select_n3A_49 {axis = 1 : i32, kind = #tpu.reduction_kind<arg_max>} : vector<512x4096xf32> -> vector<512xi32>
    %broadcast_in_dim3A_51 = vector.shape_cast %argmax3A_50 : vector<512xi32> to vector<512x1xi32>
    %eq3A_52 = vector.broadcast %iota3A : vector<1x4096xi32> to vector<512x4096xi32>
    %eq3A_53 = vector.broadcast %broadcast_in_dim3A_51 : vector<512x1xi32> to vector<512x4096xi32>
    %eq3A_54 = arith.cmpi eq, %eq3A_52, %eq3A_53 : vector<512x4096xi32>
    %jit3A_55 = arith.constant 0xFF800000 : f32
    %broadcast_in_dim3A_56 = vector.broadcast %jit3A_55 : f32 to vector<512x4096xf32>
    %select_n3A_57 = arith.select %eq3A_54, %broadcast_in_dim3A_56, %select_n3A_49 : vector<512x4096xi1>, vector<512x4096xf32>
    %argmax3A_58 = tpu.reduce_index %select_n3A_57 {axis = 1 : i32, kind = #tpu.reduction_kind<arg_max>} : vector<512x4096xf32> -> vector<512xi32>
    %broadcast_in_dim3A_59 = vector.shape_cast %argmax3A_58 : vector<512xi32> to vector<512x1xi32>
    %eq3A_60 = vector.broadcast %iota3A : vector<1x4096xi32> to vector<512x4096xi32>
    %eq3A_61 = vector.broadcast %broadcast_in_dim3A_59 : vector<512x1xi32> to vector<512x4096xi32>
    %eq3A_62 = arith.cmpi eq, %eq3A_60, %eq3A_61 : vector<512x4096xi32>
    %jit3A_63 = arith.constant 0xFF800000 : f32
    %broadcast_in_dim3A_64 = vector.broadcast %jit3A_63 : f32 to vector<512x4096xf32>
    %select_n3A_65 = arith.select %eq3A_62, %broadcast_in_dim3A_64, %select_n3A_57 : vector<512x4096xi1>, vector<512x4096xf32>
    %argmax3A_66 = tpu.reduce_index %select_n3A_65 {axis = 1 : i32, kind = #tpu.reduction_kind<arg_max>} : vector<512x4096xf32> -> vector<512xi32>
    %broadcast_in_dim3A_67 = vector.shape_cast %argmax3A_66 : vector<512xi32> to vector<512x1xi32>
    %eq3A_68 = vector.broadcast %iota3A : vector<1x4096xi32> to vector<512x4096xi32>
    %eq3A_69 = vector.broadcast %broadcast_in_dim3A_67 : vector<512x1xi32> to vector<512x4096xi32>
    %eq3A_70 = arith.cmpi eq, %eq3A_68, %eq3A_69 : vector<512x4096xi32>
    %jit3A_71 = arith.constant 0xFF800000 : f32
    %broadcast_in_dim3A_72 = vector.broadcast %jit3A_71 : f32 to vector<512x4096xf32>
    %select_n3A_73 = arith.select %eq3A_70, %broadcast_in_dim3A_72, %select_n3A_65 : vector<512x4096xi1>, vector<512x4096xf32>
    %argmax3A_74 = tpu.reduce_index %select_n3A_73 {axis = 1 : i32, kind = #tpu.reduction_kind<arg_max>} : vector<512x4096xf32> -> vector<512xi32>
    %broadcast_in_dim3A_75 = vector.shape_cast %argmax3A_74 : vector<512xi32> to vector<512x1xi32>
    %eq3A_76 = vector.broadcast %iota3A : vector<1x4096xi32> to vector<512x4096xi32>
    %eq3A_77 = vector.broadcast %broadcast_in_dim3A_75 : vector<512x1xi32> to vector<512x4096xi32>
    %eq3A_78 = arith.cmpi eq, %eq3A_76, %eq3A_77 : vector<512x4096xi32>
    %jit3A_79 = arith.constant 0xFF800000 : f32
    %broadcast_in_dim3A_80 = vector.broadcast %jit3A_79 : f32 to vector<512x4096xf32>
    %select_n3A_81 = arith.select %eq3A_78, %broadcast_in_dim3A_80, %select_n3A_73 : vector<512x4096xi1>, vector<512x4096xf32>
    %argmax3A_82 = tpu.reduce_index %select_n3A_81 {axis = 1 : i32, kind = #tpu.reduction_kind<arg_max>} : vector<512x4096xf32> -> vector<512xi32>
    %broadcast_in_dim3A_83 = vector.shape_cast %argmax3A_82 : vector<512xi32> to vector<512x1xi32>
    %eq3A_84 = vector.broadcast %iota3A : vector<1x4096xi32> to vector<512x4096xi32>
    %eq3A_85 = vector.broadcast %broadcast_in_dim3A_83 : vector<512x1xi32> to vector<512x4096xi32>
    %eq3A_86 = arith.cmpi eq, %eq3A_84, %eq3A_85 : vector<512x4096xi32>
    %jit3A_87 = arith.constant 0xFF800000 : f32
    %broadcast_in_dim3A_88 = vector.broadcast %jit3A_87 : f32 to vector<512x4096xf32>
    %select_n3A_89 = arith.select %eq3A_86, %broadcast_in_dim3A_88, %select_n3A_81 : vector<512x4096xi1>, vector<512x4096xf32>
    %argmax3A_90 = tpu.reduce_index %select_n3A_89 {axis = 1 : i32, kind = #tpu.reduction_kind<arg_max>} : vector<512x4096xf32> -> vector<512xi32>
    %broadcast_in_dim3A_91 = vector.shape_cast %argmax3A_90 : vector<512xi32> to vector<512x1xi32>
    %eq3A_92 = vector.broadcast %iota3A : vector<1x4096xi32> to vector<512x4096xi32>
    %eq3A_93 = vector.broadcast %broadcast_in_dim3A_91 : vector<512x1xi32> to vector<512x4096xi32>
    %eq3A_94 = arith.cmpi eq, %eq3A_92, %eq3A_93 : vector<512x4096xi32>
    %jit3A_95 = arith.constant 0xFF800000 : f32
    %broadcast_in_dim3A_96 = vector.broadcast %jit3A_95 : f32 to vector<512x4096xf32>
    %select_n3A_97 = arith.select %eq3A_94, %broadcast_in_dim3A_96, %select_n3A_89 : vector<512x4096xi1>, vector<512x4096xf32>
    %argmax3A_98 = tpu.reduce_index %select_n3A_97 {axis = 1 : i32, kind = #tpu.reduction_kind<arg_max>} : vector<512x4096xf32> -> vector<512xi32>
    %broadcast_in_dim3A_99 = vector.shape_cast %argmax3A_98 : vector<512xi32> to vector<512x1xi32>
    %eq3A_100 = vector.broadcast %iota3A : vector<1x4096xi32> to vector<512x4096xi32>
    %eq3A_101 = vector.broadcast %broadcast_in_dim3A_99 : vector<512x1xi32> to vector<512x4096xi32>
    %eq3A_102 = arith.cmpi eq, %eq3A_100, %eq3A_101 : vector<512x4096xi32>
    %jit3A_103 = arith.constant 0xFF800000 : f32
    %broadcast_in_dim3A_104 = vector.broadcast %jit3A_103 : f32 to vector<512x4096xf32>
    %select_n3A_105 = arith.select %eq3A_102, %broadcast_in_dim3A_104, %select_n3A_97 : vector<512x4096xi1>, vector<512x4096xf32>
    %argmax3A_106 = tpu.reduce_index %select_n3A_105 {axis = 1 : i32, kind = #tpu.reduction_kind<arg_max>} : vector<512x4096xf32> -> vector<512xi32>
    %broadcast_in_dim3A_107 = vector.shape_cast %argmax3A_106 : vector<512xi32> to vector<512x1xi32>
    %eq3A_108 = vector.broadcast %iota3A : vector<1x4096xi32> to vector<512x4096xi32>
    %eq3A_109 = vector.broadcast %broadcast_in_dim3A_107 : vector<512x1xi32> to vector<512x4096xi32>
    %eq3A_110 = arith.cmpi eq, %eq3A_108, %eq3A_109 : vector<512x4096xi32>
    %jit3A_111 = arith.constant 0xFF800000 : f32
    %broadcast_in_dim3A_112 = vector.broadcast %jit3A_111 : f32 to vector<512x4096xf32>
    %select_n3A_113 = arith.select %eq3A_110, %broadcast_in_dim3A_112, %select_n3A_105 : vector<512x4096xi1>, vector<512x4096xf32>
    %argmax3A_114 = tpu.reduce_index %select_n3A_113 {axis = 1 : i32, kind = #tpu.reduction_kind<arg_max>} : vector<512x4096xf32> -> vector<512xi32>
    %broadcast_in_dim3A_115 = vector.shape_cast %argmax3A_114 : vector<512xi32> to vector<512x1xi32>
    %eq3A_116 = vector.broadcast %iota3A : vector<1x4096xi32> to vector<512x4096xi32>
    %eq3A_117 = vector.broadcast %broadcast_in_dim3A_115 : vector<512x1xi32> to vector<512x4096xi32>
    %eq3A_118 = arith.cmpi eq, %eq3A_116, %eq3A_117 : vector<512x4096xi32>
    %jit3A_119 = arith.constant 0xFF800000 : f32
    %broadcast_in_dim3A_120 = vector.broadcast %jit3A_119 : f32 to vector<512x4096xf32>
    %select_n3A_121 = arith.select %eq3A_118, %broadcast_in_dim3A_120, %select_n3A_113 : vector<512x4096xi1>, vector<512x4096xf32>
    %argmax3A_122 = tpu.reduce_index %select_n3A_121 {axis = 1 : i32, kind = #tpu.reduction_kind<arg_max>} : vector<512x4096xf32> -> vector<512xi32>
    %broadcast_in_dim3A_123 = vector.shape_cast %argmax3A_122 : vector<512xi32> to vector<512x1xi32>
    %eq3A_124 = vector.broadcast %iota3A : vector<1x4096xi32> to vector<512x4096xi32>
    %eq3A_125 = vector.broadcast %broadcast_in_dim3A_123 : vector<512x1xi32> to vector<512x4096xi32>
    %eq3A_126 = arith.cmpi eq, %eq3A_124, %eq3A_125 : vector<512x4096xi32>
    %jit3A_127 = arith.constant 0xFF800000 : f32
    %broadcast_in_dim3A_128 = vector.broadcast %jit3A_127 : f32 to vector<512x4096xf32>
    %select_n3A_129 = arith.select %eq3A_126, %broadcast_in_dim3A_128, %select_n3A_121 : vector<512x4096xi1>, vector<512x4096xf32>
    %argmax3A_130 = tpu.reduce_index %select_n3A_129 {axis = 1 : i32, kind = #tpu.reduction_kind<arg_max>} : vector<512x4096xf32> -> vector<512xi32>
    %broadcast_in_dim3A_131 = vector.shape_cast %argmax3A_130 : vector<512xi32> to vector<512x1xi32>
    %eq3A_132 = vector.broadcast %iota3A : vector<1x4096xi32> to vector<512x4096xi32>
    %eq3A_133 = vector.broadcast %broadcast_in_dim3A_131 : vector<512x1xi32> to vector<512x4096xi32>
    %eq3A_134 = arith.cmpi eq, %eq3A_132, %eq3A_133 : vector<512x4096xi32>
    %jit3A_135 = arith.constant 0xFF800000 : f32
    %broadcast_in_dim3A_136 = vector.broadcast %jit3A_135 : f32 to vector<512x4096xf32>
    %select_n3A_137 = arith.select %eq3A_134, %broadcast_in_dim3A_136, %select_n3A_129 : vector<512x4096xi1>, vector<512x4096xf32>
    %argmax3A_138 = tpu.reduce_index %select_n3A_137 {axis = 1 : i32, kind = #tpu.reduction_kind<arg_max>} : vector<512x4096xf32> -> vector<512xi32>
    %broadcast_in_dim3A_139 = vector.shape_cast %argmax3A_138 : vector<512xi32> to vector<512x1xi32>
    %concatenate3A = tpu.concatenate %broadcast_in_dim3A_19, %broadcast_in_dim3A_27, %broadcast_in_dim3A_35, %broadcast_in_dim3A_43, %broadcast_in_dim3A_51, %broadcast_in_dim3A_59, %broadcast_in_dim3A_67, %broadcast_in_dim3A_75, %broadcast_in_dim3A_83, %broadcast_in_dim3A_91, %broadcast_in_dim3A_99, %broadcast_in_dim3A_107, %broadcast_in_dim3A_115, %broadcast_in_dim3A_123, %broadcast_in_dim3A_131, %broadcast_in_dim3A_139 in 1 : vector<512x1xi32>, vector<512x1xi32>, vector<512x1xi32>, vector<512x1xi32>, vector<512x1xi32>, vector<512x1xi32>, vector<512x1xi32>, vector<512x1xi32>, vector<512x1xi32>, vector<512x1xi32>, vector<512x1xi32>, vector<512x1xi32>, vector<512x1xi32>, vector<512x1xi32>, vector<512x1xi32>, vector<512x1xi32> -> vector<512x16xi32>
    %swap3A = arith.constant 0 : index
    %swap3A_140 = arith.constant 0 : index
    %swap3A_141 = vector.load %arg6[%swap3A, %swap3A_140] : memref<512x16xi32, #tpu.memory_space<vmem>>, vector<512x16xi32>
    tpu.vector_store %arg6[%swap3A, %swap3A_140], %concatenate3A {strides = array<i32>} : memref<512x16xi32, #tpu.memory_space<vmem>>, vector<512x16xi32>,
    %get3A_142 = arith.constant 0 : index
    %get3A_143 = arith.constant 0 : index
    %get3A_144 = vector.load %arg3[%get3A_142, %get3A_143] : memref<64x64xf32, #tpu.memory_space<vmem>>, vector<64x64xf32>
    %dot_general3A_145 = arith.constant dense<0.000000e+00> : vector<512x64xf32>
    %dot_general3A_146 = tpu.matmul %get3A_1, %get3A_144, %dot_general3A_145 {dimension_numbers = #tpu.dot_dimension_numbers<[1], [0], [0], [1], [0, 0, 1, 1], [], []>, transpose_lhs_hint = false} : vector<512x64xf32>, vector<64x64xf32>, vector<512x64xf32> -> vector<512x64xf32>
    %get3A_147 = arith.constant 0 : index
    %get3A_148 = arith.constant 0 : index
    %get3A_149 = vector.load %arg5[%get3A_147, %get3A_148] : memref<1x64xf32, #tpu.memory_space<vmem>>, vector<1x64xf32>
    %add3A_150 = vector.broadcast %get3A_149 : vector<1x64xf32> to vector<512x64xf32>
    %add3A_151 = arith.addf %dot_general3A_146, %add3A_150 : vector<512x64xf32>
    %swap3A_152 = arith.constant 0 : index
    %swap3A_153 = arith.constant 0 : index
    %swap3A_154 = vector.load %arg7[%swap3A_152, %swap3A_153] : memref<512x64xf32, #tpu.memory_space<vmem>>, vector<512x64xf32>
    tpu.vector_store %arg7[%swap3A_152, %swap3A_153], %add3A_151 {strides = array<i32>} : memref<512x64xf32, #tpu.memory_space<vmem>>, vector<512x64xf32>,
    %get3A_155 = arith.constant 0 : index
    %get3A_156 = arith.constant 0 : index
    %get3A_157 = vector.load %arg4[%get3A_155, %get3A_156] : memref<64x64xf32, #tpu.memory_space<vmem>>, vector<64x64xf32>
    %dot_general3A_158 = arith.constant dense<0.000000e+00> : vector<512x64xf32>
    %dot_general3A_159 = tpu.matmul %get3A_1, %get3A_157, %dot_general3A_158 {dimension_numbers = #tpu.dot_dimension_numbers<[1], [0], [0], [1], [0, 0, 1, 1], [], []>, transpose_lhs_hint = false} : vector<512x64xf32>, vector<64x64xf32>, vector<512x64xf32> -> vector<512x64xf32>
    %broadcast_in_dim3A_160 = arith.constant 0.000000e+00 : f32
    %broadcast_in_dim3A_161 = vector.broadcast %broadcast_in_dim3A_160 : f32 to vector<512x64xf32>
    %concatenate3A_162 = tpu.concatenate %dot_general3A_159, %broadcast_in_dim3A_161 in 1 : vector<512x64xf32>, vector<512x64xf32> -> vector<512x128xf32>
    %swap3A_163 = arith.constant 0 : index
    %swap3A_164 = arith.constant 0 : index
    %swap3A_165 = vector.load %arg8[%swap3A_163, %swap3A_164] : memref<512x128xf32, #tpu.memory_space<vmem>>, vector<512x128xf32>
    tpu.vector_store %arg8[%swap3A_163, %swap3A_164], %concatenate3A_162 {strides = array<i32>} : memref<512x128xf32, #tpu.memory_space<vmem>>, vector<512x128xf32>,
    return
  }
  func.func @transform_0(%arg0: i32) -> (i32, i32) {
    %c0_i32 = arith.constant 0 : i32
    %c0_i32_0 = arith.constant 0 : i32
    %c0_i32_1 = arith.constant 0 : i32
    return %c0_i32, %c0_i32_0 : i32, i32
  }
  func.func @transform_1(%arg0: i32) -> (i32, i32) {
    %c0_i32 = arith.constant 0 : i32
    %c0_i32_0 = arith.constant 0 : i32
    return %arg0, %c0_i32 : i32, i32
  }
  func.func @transform_2(%arg0: i32) -> (i32, i32) {
    %c0_i32 = arith.constant 0 : i32
    %c0_i32_0 = arith.constant 0 : i32
    %c0_i32_1 = arith.constant 0 : i32
    return %c0_i32, %c0_i32_0 : i32, i32
  }
  func.func @transform_3(%arg0: i32) -> (i32, i32) {
    %c0_i32 = arith.constant 0 : i32
    %c0_i32_0 = arith.constant 0 : i32
    %c0_i32_1 = arith.constant 0 : i32
    return %c0_i32, %c0_i32_0 : i32, i32
  }
  func.func @transform_4(%arg0: i32) -> (i32, i32) {
    %c0_i32 = arith.constant 0 : i32
    %c0_i32_0 = arith.constant 0 : i32
    %c0_i32_1 = arith.constant 0 : i32
    return %c0_i32, %c0_i32_0 : i32, i32
  }
  func.func @transform_5(%arg0: i32) -> (i32, i32) {
    %c0_i32 = arith.constant 0 : i32
    %c0_i32_0 = arith.constant 0 : i32
    return %arg0, %c0_i32 : i32, i32
  }
  func.func @transform_6(%arg0: i32) -> (i32, i32) {
    %c0_i32 = arith.constant 0 : i32
    %c0_i32_0 = arith.constant 0 : i32
    return %arg0, %c0_i32 : i32, i32
  }
  func.func @transform_7(%arg0: i32) -> (i32, i32) {
    %c0_i32 = arith.constant 0 : i32
    %c0_i32_0 = arith.constant 0 : i32
    return %arg0, %c0_i32 : i32, i32
  }
}

module attributes {stable_mosaic.version = 14 : i64} {
  func.func @_mlp_body(%arg0: i32, %arg1: memref<256x64xf32, #tpu.memory_space<vmem>>, %arg2: memref<16x256x128xf32, #tpu.memory_space<vmem>>, %arg3: memref<64x64xf32, #tpu.memory_space<vmem>>, %arg4: memref<1x64xf32, #tpu.memory_space<vmem>>, %arg5: memref<1x64xf32, #tpu.memory_space<vmem>>, %arg6: memref<1x64xf32, #tpu.memory_space<vmem>>, %arg7: memref<256x64xf32, #tpu.memory_space<vmem>>) attributes {dimension_semantics = [#tpu.dimension_semantics<arbitrary>], iteration_bounds = array<i64: 16>, scalar_prefetch = 0 : i64, scratch_operands = 0 : i64, tpu.core_type = #tpu.core_type<tc>, window_params = [{transform_indices = @transform_0, window_bounds = array<i64: 256, 64>}, {transform_indices = @transform_1, window_bounds = array<i64: 16, 256, 128>}, {pipeline_mode = #tpu.pipeline_mode<synchronous>, transform_indices = @transform_2, window_bounds = array<i64: 64, 64>}, {pipeline_mode = #tpu.pipeline_mode<synchronous>, transform_indices = @transform_3, window_bounds = array<i64: 1, 64>}, {pipeline_mode = #tpu.pipeline_mode<synchronous>, transform_indices = @transform_4, window_bounds = array<i64: 1, 64>}, {pipeline_mode = #tpu.pipeline_mode<synchronous>, transform_indices = @transform_5, window_bounds = array<i64: 1, 64>}, {transform_indices = @transform_6, window_bounds = array<i64: 256, 64>}]} {
    %get3A = arith.constant 0 : index
    %get3A_0 = arith.constant 0 : index
    %get3A_1 = vector.load %arg1[%get3A, %get3A_0] : memref<256x64xf32, #tpu.memory_space<vmem>>, vector<256x64xf32>
    %broadcast_in_dim3A = arith.constant 0.000000e+00 : f32
    %broadcast_in_dim3A_2 = vector.broadcast %broadcast_in_dim3A : f32 to vector<256x64xf32>
    %get3A_3 = arith.constant 0 : index
    %get3A_4 = arith.constant 0 : index
    %get3A_5 = arith.constant 0 : index
    %get3A_6 = vector.load %arg2[%get3A_3, %get3A_4, %get3A_5] : memref<16x256x128xf32, #tpu.memory_space<vmem>>, vector<1x256x128xf32>
    %get3A_7 = vector.shape_cast %get3A_6 : vector<1x256x128xf32> to vector<256x128xf32>
    %slice3A = vector.extract_strided_slice %get3A_7 {offsets = [0, 0], sizes = [256, 64], strides = [1, 1]} : vector<256x128xf32> to vector<256x64xf32>
    %add3A = arith.addf %get3A_1, %slice3A : vector<256x64xf32>
    %ge3A = arith.constant 0.000000e+00 : f32
    %ge3A_8 = vector.broadcast %ge3A : f32 to vector<256x64xf32>
    %ge3A_9 = arith.cmpf oge, %add3A, %ge3A_8 : vector<256x64xf32>
    %mul3A = arith.constant 2.000000e-01 : f32
    %mul3A_10 = vector.broadcast %mul3A : f32 to vector<256x64xf32>
    %mul3A_11 = arith.mulf %mul3A_10, %add3A : vector<256x64xf32>
    %select_n3A = arith.select %ge3A_9, %add3A, %mul3A_11 : vector<256x64xi1>, vector<256x64xf32>
    %get3A_12 = arith.constant 0 : index
    %get3A_13 = arith.constant 0 : index
    %get3A_14 = vector.load %arg3[%get3A_12, %get3A_13] : memref<64x64xf32, #tpu.memory_space<vmem>>, vector<64x64xf32>
    %dot_general3A = arith.constant dense<0.000000e+00> : vector<256x64xf32>
    %dot_general3A_15 = tpu.matmul %select_n3A, %get3A_14, %dot_general3A {dimension_numbers = #tpu.dot_dimension_numbers<[1], [0], [0], [1], [0, 0, 1, 1], [], []>, transpose_lhs_hint = false} : vector<256x64xf32>, vector<64x64xf32>, vector<256x64xf32> -> vector<256x64xf32>
    %get3A_16 = arith.constant 0 : index
    %get3A_17 = arith.constant 0 : index
    %get3A_18 = vector.load %arg4[%get3A_16, %get3A_17] : memref<1x64xf32, #tpu.memory_space<vmem>>, vector<1x64xf32>
    %add3A_19 = vector.broadcast %get3A_18 : vector<1x64xf32> to vector<256x64xf32>
    %add3A_20 = arith.addf %dot_general3A_15, %add3A_19 : vector<256x64xf32>
    %ge3A_21 = arith.constant 0.000000e+00 : f32
    %ge3A_22 = vector.broadcast %ge3A_21 : f32 to vector<256x64xf32>
    %ge3A_23 = arith.cmpf oge, %add3A_20, %ge3A_22 : vector<256x64xf32>
    %mul3A_24 = arith.constant 2.000000e-01 : f32
    %mul3A_25 = vector.broadcast %mul3A_24 : f32 to vector<256x64xf32>
    %mul3A_26 = arith.mulf %mul3A_25, %add3A_20 : vector<256x64xf32>
    %select_n3A_27 = arith.select %ge3A_23, %add3A_20, %mul3A_26 : vector<256x64xi1>, vector<256x64xf32>
    %add3A_28 = arith.addf %broadcast_in_dim3A_2, %select_n3A_27 : vector<256x64xf32>
    %get3A_29 = arith.constant 1 : index
    %get3A_30 = arith.constant 0 : index
    %get3A_31 = arith.constant 0 : index
    %get3A_32 = vector.load %arg2[%get3A_29, %get3A_30, %get3A_31] : memref<16x256x128xf32, #tpu.memory_space<vmem>>, vector<1x256x128xf32>
    %get3A_33 = vector.shape_cast %get3A_32 : vector<1x256x128xf32> to vector<256x128xf32>
    %slice3A_34 = vector.extract_strided_slice %get3A_33 {offsets = [0, 0], sizes = [256, 64], strides = [1, 1]} : vector<256x128xf32> to vector<256x64xf32>
    %add3A_35 = arith.addf %get3A_1, %slice3A_34 : vector<256x64xf32>
    %ge3A_36 = arith.constant 0.000000e+00 : f32
    %ge3A_37 = vector.broadcast %ge3A_36 : f32 to vector<256x64xf32>
    %ge3A_38 = arith.cmpf oge, %add3A_35, %ge3A_37 : vector<256x64xf32>
    %mul3A_39 = arith.constant 2.000000e-01 : f32
    %mul3A_40 = vector.broadcast %mul3A_39 : f32 to vector<256x64xf32>
    %mul3A_41 = arith.mulf %mul3A_40, %add3A_35 : vector<256x64xf32>
    %select_n3A_42 = arith.select %ge3A_38, %add3A_35, %mul3A_41 : vector<256x64xi1>, vector<256x64xf32>
    %get3A_43 = arith.constant 0 : index
    %get3A_44 = arith.constant 0 : index
    %get3A_45 = vector.load %arg3[%get3A_43, %get3A_44] : memref<64x64xf32, #tpu.memory_space<vmem>>, vector<64x64xf32>
    %dot_general3A_46 = arith.constant dense<0.000000e+00> : vector<256x64xf32>
    %dot_general3A_47 = tpu.matmul %select_n3A_42, %get3A_45, %dot_general3A_46 {dimension_numbers = #tpu.dot_dimension_numbers<[1], [0], [0], [1], [0, 0, 1, 1], [], []>, transpose_lhs_hint = false} : vector<256x64xf32>, vector<64x64xf32>, vector<256x64xf32> -> vector<256x64xf32>
    %get3A_48 = arith.constant 0 : index
    %get3A_49 = arith.constant 0 : index
    %get3A_50 = vector.load %arg4[%get3A_48, %get3A_49] : memref<1x64xf32, #tpu.memory_space<vmem>>, vector<1x64xf32>
    %add3A_51 = vector.broadcast %get3A_50 : vector<1x64xf32> to vector<256x64xf32>
    %add3A_52 = arith.addf %dot_general3A_47, %add3A_51 : vector<256x64xf32>
    %ge3A_53 = arith.constant 0.000000e+00 : f32
    %ge3A_54 = vector.broadcast %ge3A_53 : f32 to vector<256x64xf32>
    %ge3A_55 = arith.cmpf oge, %add3A_52, %ge3A_54 : vector<256x64xf32>
    %mul3A_56 = arith.constant 2.000000e-01 : f32
    %mul3A_57 = vector.broadcast %mul3A_56 : f32 to vector<256x64xf32>
    %mul3A_58 = arith.mulf %mul3A_57, %add3A_52 : vector<256x64xf32>
    %select_n3A_59 = arith.select %ge3A_55, %add3A_52, %mul3A_58 : vector<256x64xi1>, vector<256x64xf32>
    %add3A_60 = arith.addf %add3A_28, %select_n3A_59 : vector<256x64xf32>
    %get3A_61 = arith.constant 2 : index
    %get3A_62 = arith.constant 0 : index
    %get3A_63 = arith.constant 0 : index
    %get3A_64 = vector.load %arg2[%get3A_61, %get3A_62, %get3A_63] : memref<16x256x128xf32, #tpu.memory_space<vmem>>, vector<1x256x128xf32>
    %get3A_65 = vector.shape_cast %get3A_64 : vector<1x256x128xf32> to vector<256x128xf32>
    %slice3A_66 = vector.extract_strided_slice %get3A_65 {offsets = [0, 0], sizes = [256, 64], strides = [1, 1]} : vector<256x128xf32> to vector<256x64xf32>
    %add3A_67 = arith.addf %get3A_1, %slice3A_66 : vector<256x64xf32>
    %ge3A_68 = arith.constant 0.000000e+00 : f32
    %ge3A_69 = vector.broadcast %ge3A_68 : f32 to vector<256x64xf32>
    %ge3A_70 = arith.cmpf oge, %add3A_67, %ge3A_69 : vector<256x64xf32>
    %mul3A_71 = arith.constant 2.000000e-01 : f32
    %mul3A_72 = vector.broadcast %mul3A_71 : f32 to vector<256x64xf32>
    %mul3A_73 = arith.mulf %mul3A_72, %add3A_67 : vector<256x64xf32>
    %select_n3A_74 = arith.select %ge3A_70, %add3A_67, %mul3A_73 : vector<256x64xi1>, vector<256x64xf32>
    %get3A_75 = arith.constant 0 : index
    %get3A_76 = arith.constant 0 : index
    %get3A_77 = vector.load %arg3[%get3A_75, %get3A_76] : memref<64x64xf32, #tpu.memory_space<vmem>>, vector<64x64xf32>
    %dot_general3A_78 = arith.constant dense<0.000000e+00> : vector<256x64xf32>
    %dot_general3A_79 = tpu.matmul %select_n3A_74, %get3A_77, %dot_general3A_78 {dimension_numbers = #tpu.dot_dimension_numbers<[1], [0], [0], [1], [0, 0, 1, 1], [], []>, transpose_lhs_hint = false} : vector<256x64xf32>, vector<64x64xf32>, vector<256x64xf32> -> vector<256x64xf32>
    %get3A_80 = arith.constant 0 : index
    %get3A_81 = arith.constant 0 : index
    %get3A_82 = vector.load %arg4[%get3A_80, %get3A_81] : memref<1x64xf32, #tpu.memory_space<vmem>>, vector<1x64xf32>
    %add3A_83 = vector.broadcast %get3A_82 : vector<1x64xf32> to vector<256x64xf32>
    %add3A_84 = arith.addf %dot_general3A_79, %add3A_83 : vector<256x64xf32>
    %ge3A_85 = arith.constant 0.000000e+00 : f32
    %ge3A_86 = vector.broadcast %ge3A_85 : f32 to vector<256x64xf32>
    %ge3A_87 = arith.cmpf oge, %add3A_84, %ge3A_86 : vector<256x64xf32>
    %mul3A_88 = arith.constant 2.000000e-01 : f32
    %mul3A_89 = vector.broadcast %mul3A_88 : f32 to vector<256x64xf32>
    %mul3A_90 = arith.mulf %mul3A_89, %add3A_84 : vector<256x64xf32>
    %select_n3A_91 = arith.select %ge3A_87, %add3A_84, %mul3A_90 : vector<256x64xi1>, vector<256x64xf32>
    %add3A_92 = arith.addf %add3A_60, %select_n3A_91 : vector<256x64xf32>
    %get3A_93 = arith.constant 3 : index
    %get3A_94 = arith.constant 0 : index
    %get3A_95 = arith.constant 0 : index
    %get3A_96 = vector.load %arg2[%get3A_93, %get3A_94, %get3A_95] : memref<16x256x128xf32, #tpu.memory_space<vmem>>, vector<1x256x128xf32>
    %get3A_97 = vector.shape_cast %get3A_96 : vector<1x256x128xf32> to vector<256x128xf32>
    %slice3A_98 = vector.extract_strided_slice %get3A_97 {offsets = [0, 0], sizes = [256, 64], strides = [1, 1]} : vector<256x128xf32> to vector<256x64xf32>
    %add3A_99 = arith.addf %get3A_1, %slice3A_98 : vector<256x64xf32>
    %ge3A_100 = arith.constant 0.000000e+00 : f32
    %ge3A_101 = vector.broadcast %ge3A_100 : f32 to vector<256x64xf32>
    %ge3A_102 = arith.cmpf oge, %add3A_99, %ge3A_101 : vector<256x64xf32>
    %mul3A_103 = arith.constant 2.000000e-01 : f32
    %mul3A_104 = vector.broadcast %mul3A_103 : f32 to vector<256x64xf32>
    %mul3A_105 = arith.mulf %mul3A_104, %add3A_99 : vector<256x64xf32>
    %select_n3A_106 = arith.select %ge3A_102, %add3A_99, %mul3A_105 : vector<256x64xi1>, vector<256x64xf32>
    %get3A_107 = arith.constant 0 : index
    %get3A_108 = arith.constant 0 : index
    %get3A_109 = vector.load %arg3[%get3A_107, %get3A_108] : memref<64x64xf32, #tpu.memory_space<vmem>>, vector<64x64xf32>
    %dot_general3A_110 = arith.constant dense<0.000000e+00> : vector<256x64xf32>
    %dot_general3A_111 = tpu.matmul %select_n3A_106, %get3A_109, %dot_general3A_110 {dimension_numbers = #tpu.dot_dimension_numbers<[1], [0], [0], [1], [0, 0, 1, 1], [], []>, transpose_lhs_hint = false} : vector<256x64xf32>, vector<64x64xf32>, vector<256x64xf32> -> vector<256x64xf32>
    %get3A_112 = arith.constant 0 : index
    %get3A_113 = arith.constant 0 : index
    %get3A_114 = vector.load %arg4[%get3A_112, %get3A_113] : memref<1x64xf32, #tpu.memory_space<vmem>>, vector<1x64xf32>
    %add3A_115 = vector.broadcast %get3A_114 : vector<1x64xf32> to vector<256x64xf32>
    %add3A_116 = arith.addf %dot_general3A_111, %add3A_115 : vector<256x64xf32>
    %ge3A_117 = arith.constant 0.000000e+00 : f32
    %ge3A_118 = vector.broadcast %ge3A_117 : f32 to vector<256x64xf32>
    %ge3A_119 = arith.cmpf oge, %add3A_116, %ge3A_118 : vector<256x64xf32>
    %mul3A_120 = arith.constant 2.000000e-01 : f32
    %mul3A_121 = vector.broadcast %mul3A_120 : f32 to vector<256x64xf32>
    %mul3A_122 = arith.mulf %mul3A_121, %add3A_116 : vector<256x64xf32>
    %select_n3A_123 = arith.select %ge3A_119, %add3A_116, %mul3A_122 : vector<256x64xi1>, vector<256x64xf32>
    %add3A_124 = arith.addf %add3A_92, %select_n3A_123 : vector<256x64xf32>
    %get3A_125 = arith.constant 4 : index
    %get3A_126 = arith.constant 0 : index
    %get3A_127 = arith.constant 0 : index
    %get3A_128 = vector.load %arg2[%get3A_125, %get3A_126, %get3A_127] : memref<16x256x128xf32, #tpu.memory_space<vmem>>, vector<1x256x128xf32>
    %get3A_129 = vector.shape_cast %get3A_128 : vector<1x256x128xf32> to vector<256x128xf32>
    %slice3A_130 = vector.extract_strided_slice %get3A_129 {offsets = [0, 0], sizes = [256, 64], strides = [1, 1]} : vector<256x128xf32> to vector<256x64xf32>
    %add3A_131 = arith.addf %get3A_1, %slice3A_130 : vector<256x64xf32>
    %ge3A_132 = arith.constant 0.000000e+00 : f32
    %ge3A_133 = vector.broadcast %ge3A_132 : f32 to vector<256x64xf32>
    %ge3A_134 = arith.cmpf oge, %add3A_131, %ge3A_133 : vector<256x64xf32>
    %mul3A_135 = arith.constant 2.000000e-01 : f32
    %mul3A_136 = vector.broadcast %mul3A_135 : f32 to vector<256x64xf32>
    %mul3A_137 = arith.mulf %mul3A_136, %add3A_131 : vector<256x64xf32>
    %select_n3A_138 = arith.select %ge3A_134, %add3A_131, %mul3A_137 : vector<256x64xi1>, vector<256x64xf32>
    %get3A_139 = arith.constant 0 : index
    %get3A_140 = arith.constant 0 : index
    %get3A_141 = vector.load %arg3[%get3A_139, %get3A_140] : memref<64x64xf32, #tpu.memory_space<vmem>>, vector<64x64xf32>
    %dot_general3A_142 = arith.constant dense<0.000000e+00> : vector<256x64xf32>
    %dot_general3A_143 = tpu.matmul %select_n3A_138, %get3A_141, %dot_general3A_142 {dimension_numbers = #tpu.dot_dimension_numbers<[1], [0], [0], [1], [0, 0, 1, 1], [], []>, transpose_lhs_hint = false} : vector<256x64xf32>, vector<64x64xf32>, vector<256x64xf32> -> vector<256x64xf32>
    %get3A_144 = arith.constant 0 : index
    %get3A_145 = arith.constant 0 : index
    %get3A_146 = vector.load %arg4[%get3A_144, %get3A_145] : memref<1x64xf32, #tpu.memory_space<vmem>>, vector<1x64xf32>
    %add3A_147 = vector.broadcast %get3A_146 : vector<1x64xf32> to vector<256x64xf32>
    %add3A_148 = arith.addf %dot_general3A_143, %add3A_147 : vector<256x64xf32>
    %ge3A_149 = arith.constant 0.000000e+00 : f32
    %ge3A_150 = vector.broadcast %ge3A_149 : f32 to vector<256x64xf32>
    %ge3A_151 = arith.cmpf oge, %add3A_148, %ge3A_150 : vector<256x64xf32>
    %mul3A_152 = arith.constant 2.000000e-01 : f32
    %mul3A_153 = vector.broadcast %mul3A_152 : f32 to vector<256x64xf32>
    %mul3A_154 = arith.mulf %mul3A_153, %add3A_148 : vector<256x64xf32>
    %select_n3A_155 = arith.select %ge3A_151, %add3A_148, %mul3A_154 : vector<256x64xi1>, vector<256x64xf32>
    %add3A_156 = arith.addf %add3A_124, %select_n3A_155 : vector<256x64xf32>
    %get3A_157 = arith.constant 5 : index
    %get3A_158 = arith.constant 0 : index
    %get3A_159 = arith.constant 0 : index
    %get3A_160 = vector.load %arg2[%get3A_157, %get3A_158, %get3A_159] : memref<16x256x128xf32, #tpu.memory_space<vmem>>, vector<1x256x128xf32>
    %get3A_161 = vector.shape_cast %get3A_160 : vector<1x256x128xf32> to vector<256x128xf32>
    %slice3A_162 = vector.extract_strided_slice %get3A_161 {offsets = [0, 0], sizes = [256, 64], strides = [1, 1]} : vector<256x128xf32> to vector<256x64xf32>
    %add3A_163 = arith.addf %get3A_1, %slice3A_162 : vector<256x64xf32>
    %ge3A_164 = arith.constant 0.000000e+00 : f32
    %ge3A_165 = vector.broadcast %ge3A_164 : f32 to vector<256x64xf32>
    %ge3A_166 = arith.cmpf oge, %add3A_163, %ge3A_165 : vector<256x64xf32>
    %mul3A_167 = arith.constant 2.000000e-01 : f32
    %mul3A_168 = vector.broadcast %mul3A_167 : f32 to vector<256x64xf32>
    %mul3A_169 = arith.mulf %mul3A_168, %add3A_163 : vector<256x64xf32>
    %select_n3A_170 = arith.select %ge3A_166, %add3A_163, %mul3A_169 : vector<256x64xi1>, vector<256x64xf32>
    %get3A_171 = arith.constant 0 : index
    %get3A_172 = arith.constant 0 : index
    %get3A_173 = vector.load %arg3[%get3A_171, %get3A_172] : memref<64x64xf32, #tpu.memory_space<vmem>>, vector<64x64xf32>
    %dot_general3A_174 = arith.constant dense<0.000000e+00> : vector<256x64xf32>
    %dot_general3A_175 = tpu.matmul %select_n3A_170, %get3A_173, %dot_general3A_174 {dimension_numbers = #tpu.dot_dimension_numbers<[1], [0], [0], [1], [0, 0, 1, 1], [], []>, transpose_lhs_hint = false} : vector<256x64xf32>, vector<64x64xf32>, vector<256x64xf32> -> vector<256x64xf32>
    %get3A_176 = arith.constant 0 : index
    %get3A_177 = arith.constant 0 : index
    %get3A_178 = vector.load %arg4[%get3A_176, %get3A_177] : memref<1x64xf32, #tpu.memory_space<vmem>>, vector<1x64xf32>
    %add3A_179 = vector.broadcast %get3A_178 : vector<1x64xf32> to vector<256x64xf32>
    %add3A_180 = arith.addf %dot_general3A_175, %add3A_179 : vector<256x64xf32>
    %ge3A_181 = arith.constant 0.000000e+00 : f32
    %ge3A_182 = vector.broadcast %ge3A_181 : f32 to vector<256x64xf32>
    %ge3A_183 = arith.cmpf oge, %add3A_180, %ge3A_182 : vector<256x64xf32>
    %mul3A_184 = arith.constant 2.000000e-01 : f32
    %mul3A_185 = vector.broadcast %mul3A_184 : f32 to vector<256x64xf32>
    %mul3A_186 = arith.mulf %mul3A_185, %add3A_180 : vector<256x64xf32>
    %select_n3A_187 = arith.select %ge3A_183, %add3A_180, %mul3A_186 : vector<256x64xi1>, vector<256x64xf32>
    %add3A_188 = arith.addf %add3A_156, %select_n3A_187 : vector<256x64xf32>
    %get3A_189 = arith.constant 6 : index
    %get3A_190 = arith.constant 0 : index
    %get3A_191 = arith.constant 0 : index
    %get3A_192 = vector.load %arg2[%get3A_189, %get3A_190, %get3A_191] : memref<16x256x128xf32, #tpu.memory_space<vmem>>, vector<1x256x128xf32>
    %get3A_193 = vector.shape_cast %get3A_192 : vector<1x256x128xf32> to vector<256x128xf32>
    %slice3A_194 = vector.extract_strided_slice %get3A_193 {offsets = [0, 0], sizes = [256, 64], strides = [1, 1]} : vector<256x128xf32> to vector<256x64xf32>
    %add3A_195 = arith.addf %get3A_1, %slice3A_194 : vector<256x64xf32>
    %ge3A_196 = arith.constant 0.000000e+00 : f32
    %ge3A_197 = vector.broadcast %ge3A_196 : f32 to vector<256x64xf32>
    %ge3A_198 = arith.cmpf oge, %add3A_195, %ge3A_197 : vector<256x64xf32>
    %mul3A_199 = arith.constant 2.000000e-01 : f32
    %mul3A_200 = vector.broadcast %mul3A_199 : f32 to vector<256x64xf32>
    %mul3A_201 = arith.mulf %mul3A_200, %add3A_195 : vector<256x64xf32>
    %select_n3A_202 = arith.select %ge3A_198, %add3A_195, %mul3A_201 : vector<256x64xi1>, vector<256x64xf32>
    %get3A_203 = arith.constant 0 : index
    %get3A_204 = arith.constant 0 : index
    %get3A_205 = vector.load %arg3[%get3A_203, %get3A_204] : memref<64x64xf32, #tpu.memory_space<vmem>>, vector<64x64xf32>
    %dot_general3A_206 = arith.constant dense<0.000000e+00> : vector<256x64xf32>
    %dot_general3A_207 = tpu.matmul %select_n3A_202, %get3A_205, %dot_general3A_206 {dimension_numbers = #tpu.dot_dimension_numbers<[1], [0], [0], [1], [0, 0, 1, 1], [], []>, transpose_lhs_hint = false} : vector<256x64xf32>, vector<64x64xf32>, vector<256x64xf32> -> vector<256x64xf32>
    %get3A_208 = arith.constant 0 : index
    %get3A_209 = arith.constant 0 : index
    %get3A_210 = vector.load %arg4[%get3A_208, %get3A_209] : memref<1x64xf32, #tpu.memory_space<vmem>>, vector<1x64xf32>
    %add3A_211 = vector.broadcast %get3A_210 : vector<1x64xf32> to vector<256x64xf32>
    %add3A_212 = arith.addf %dot_general3A_207, %add3A_211 : vector<256x64xf32>
    %ge3A_213 = arith.constant 0.000000e+00 : f32
    %ge3A_214 = vector.broadcast %ge3A_213 : f32 to vector<256x64xf32>
    %ge3A_215 = arith.cmpf oge, %add3A_212, %ge3A_214 : vector<256x64xf32>
    %mul3A_216 = arith.constant 2.000000e-01 : f32
    %mul3A_217 = vector.broadcast %mul3A_216 : f32 to vector<256x64xf32>
    %mul3A_218 = arith.mulf %mul3A_217, %add3A_212 : vector<256x64xf32>
    %select_n3A_219 = arith.select %ge3A_215, %add3A_212, %mul3A_218 : vector<256x64xi1>, vector<256x64xf32>
    %add3A_220 = arith.addf %add3A_188, %select_n3A_219 : vector<256x64xf32>
    %get3A_221 = arith.constant 7 : index
    %get3A_222 = arith.constant 0 : index
    %get3A_223 = arith.constant 0 : index
    %get3A_224 = vector.load %arg2[%get3A_221, %get3A_222, %get3A_223] : memref<16x256x128xf32, #tpu.memory_space<vmem>>, vector<1x256x128xf32>
    %get3A_225 = vector.shape_cast %get3A_224 : vector<1x256x128xf32> to vector<256x128xf32>
    %slice3A_226 = vector.extract_strided_slice %get3A_225 {offsets = [0, 0], sizes = [256, 64], strides = [1, 1]} : vector<256x128xf32> to vector<256x64xf32>
    %add3A_227 = arith.addf %get3A_1, %slice3A_226 : vector<256x64xf32>
    %ge3A_228 = arith.constant 0.000000e+00 : f32
    %ge3A_229 = vector.broadcast %ge3A_228 : f32 to vector<256x64xf32>
    %ge3A_230 = arith.cmpf oge, %add3A_227, %ge3A_229 : vector<256x64xf32>
    %mul3A_231 = arith.constant 2.000000e-01 : f32
    %mul3A_232 = vector.broadcast %mul3A_231 : f32 to vector<256x64xf32>
    %mul3A_233 = arith.mulf %mul3A_232, %add3A_227 : vector<256x64xf32>
    %select_n3A_234 = arith.select %ge3A_230, %add3A_227, %mul3A_233 : vector<256x64xi1>, vector<256x64xf32>
    %get3A_235 = arith.constant 0 : index
    %get3A_236 = arith.constant 0 : index
    %get3A_237 = vector.load %arg3[%get3A_235, %get3A_236] : memref<64x64xf32, #tpu.memory_space<vmem>>, vector<64x64xf32>
    %dot_general3A_238 = arith.constant dense<0.000000e+00> : vector<256x64xf32>
    %dot_general3A_239 = tpu.matmul %select_n3A_234, %get3A_237, %dot_general3A_238 {dimension_numbers = #tpu.dot_dimension_numbers<[1], [0], [0], [1], [0, 0, 1, 1], [], []>, transpose_lhs_hint = false} : vector<256x64xf32>, vector<64x64xf32>, vector<256x64xf32> -> vector<256x64xf32>
    %get3A_240 = arith.constant 0 : index
    %get3A_241 = arith.constant 0 : index
    %get3A_242 = vector.load %arg4[%get3A_240, %get3A_241] : memref<1x64xf32, #tpu.memory_space<vmem>>, vector<1x64xf32>
    %add3A_243 = vector.broadcast %get3A_242 : vector<1x64xf32> to vector<256x64xf32>
    %add3A_244 = arith.addf %dot_general3A_239, %add3A_243 : vector<256x64xf32>
    %ge3A_245 = arith.constant 0.000000e+00 : f32
    %ge3A_246 = vector.broadcast %ge3A_245 : f32 to vector<256x64xf32>
    %ge3A_247 = arith.cmpf oge, %add3A_244, %ge3A_246 : vector<256x64xf32>
    %mul3A_248 = arith.constant 2.000000e-01 : f32
    %mul3A_249 = vector.broadcast %mul3A_248 : f32 to vector<256x64xf32>
    %mul3A_250 = arith.mulf %mul3A_249, %add3A_244 : vector<256x64xf32>
    %select_n3A_251 = arith.select %ge3A_247, %add3A_244, %mul3A_250 : vector<256x64xi1>, vector<256x64xf32>
    %add3A_252 = arith.addf %add3A_220, %select_n3A_251 : vector<256x64xf32>
    %get3A_253 = arith.constant 8 : index
    %get3A_254 = arith.constant 0 : index
    %get3A_255 = arith.constant 0 : index
    %get3A_256 = vector.load %arg2[%get3A_253, %get3A_254, %get3A_255] : memref<16x256x128xf32, #tpu.memory_space<vmem>>, vector<1x256x128xf32>
    %get3A_257 = vector.shape_cast %get3A_256 : vector<1x256x128xf32> to vector<256x128xf32>
    %slice3A_258 = vector.extract_strided_slice %get3A_257 {offsets = [0, 0], sizes = [256, 64], strides = [1, 1]} : vector<256x128xf32> to vector<256x64xf32>
    %add3A_259 = arith.addf %get3A_1, %slice3A_258 : vector<256x64xf32>
    %ge3A_260 = arith.constant 0.000000e+00 : f32
    %ge3A_261 = vector.broadcast %ge3A_260 : f32 to vector<256x64xf32>
    %ge3A_262 = arith.cmpf oge, %add3A_259, %ge3A_261 : vector<256x64xf32>
    %mul3A_263 = arith.constant 2.000000e-01 : f32
    %mul3A_264 = vector.broadcast %mul3A_263 : f32 to vector<256x64xf32>
    %mul3A_265 = arith.mulf %mul3A_264, %add3A_259 : vector<256x64xf32>
    %select_n3A_266 = arith.select %ge3A_262, %add3A_259, %mul3A_265 : vector<256x64xi1>, vector<256x64xf32>
    %get3A_267 = arith.constant 0 : index
    %get3A_268 = arith.constant 0 : index
    %get3A_269 = vector.load %arg3[%get3A_267, %get3A_268] : memref<64x64xf32, #tpu.memory_space<vmem>>, vector<64x64xf32>
    %dot_general3A_270 = arith.constant dense<0.000000e+00> : vector<256x64xf32>
    %dot_general3A_271 = tpu.matmul %select_n3A_266, %get3A_269, %dot_general3A_270 {dimension_numbers = #tpu.dot_dimension_numbers<[1], [0], [0], [1], [0, 0, 1, 1], [], []>, transpose_lhs_hint = false} : vector<256x64xf32>, vector<64x64xf32>, vector<256x64xf32> -> vector<256x64xf32>
    %get3A_272 = arith.constant 0 : index
    %get3A_273 = arith.constant 0 : index
    %get3A_274 = vector.load %arg4[%get3A_272, %get3A_273] : memref<1x64xf32, #tpu.memory_space<vmem>>, vector<1x64xf32>
    %add3A_275 = vector.broadcast %get3A_274 : vector<1x64xf32> to vector<256x64xf32>
    %add3A_276 = arith.addf %dot_general3A_271, %add3A_275 : vector<256x64xf32>
    %ge3A_277 = arith.constant 0.000000e+00 : f32
    %ge3A_278 = vector.broadcast %ge3A_277 : f32 to vector<256x64xf32>
    %ge3A_279 = arith.cmpf oge, %add3A_276, %ge3A_278 : vector<256x64xf32>
    %mul3A_280 = arith.constant 2.000000e-01 : f32
    %mul3A_281 = vector.broadcast %mul3A_280 : f32 to vector<256x64xf32>
    %mul3A_282 = arith.mulf %mul3A_281, %add3A_276 : vector<256x64xf32>
    %select_n3A_283 = arith.select %ge3A_279, %add3A_276, %mul3A_282 : vector<256x64xi1>, vector<256x64xf32>
    %add3A_284 = arith.addf %add3A_252, %select_n3A_283 : vector<256x64xf32>
    %get3A_285 = arith.constant 9 : index
    %get3A_286 = arith.constant 0 : index
    %get3A_287 = arith.constant 0 : index
    %get3A_288 = vector.load %arg2[%get3A_285, %get3A_286, %get3A_287] : memref<16x256x128xf32, #tpu.memory_space<vmem>>, vector<1x256x128xf32>
    %get3A_289 = vector.shape_cast %get3A_288 : vector<1x256x128xf32> to vector<256x128xf32>
    %slice3A_290 = vector.extract_strided_slice %get3A_289 {offsets = [0, 0], sizes = [256, 64], strides = [1, 1]} : vector<256x128xf32> to vector<256x64xf32>
    %add3A_291 = arith.addf %get3A_1, %slice3A_290 : vector<256x64xf32>
    %ge3A_292 = arith.constant 0.000000e+00 : f32
    %ge3A_293 = vector.broadcast %ge3A_292 : f32 to vector<256x64xf32>
    %ge3A_294 = arith.cmpf oge, %add3A_291, %ge3A_293 : vector<256x64xf32>
    %mul3A_295 = arith.constant 2.000000e-01 : f32
    %mul3A_296 = vector.broadcast %mul3A_295 : f32 to vector<256x64xf32>
    %mul3A_297 = arith.mulf %mul3A_296, %add3A_291 : vector<256x64xf32>
    %select_n3A_298 = arith.select %ge3A_294, %add3A_291, %mul3A_297 : vector<256x64xi1>, vector<256x64xf32>
    %get3A_299 = arith.constant 0 : index
    %get3A_300 = arith.constant 0 : index
    %get3A_301 = vector.load %arg3[%get3A_299, %get3A_300] : memref<64x64xf32, #tpu.memory_space<vmem>>, vector<64x64xf32>
    %dot_general3A_302 = arith.constant dense<0.000000e+00> : vector<256x64xf32>
    %dot_general3A_303 = tpu.matmul %select_n3A_298, %get3A_301, %dot_general3A_302 {dimension_numbers = #tpu.dot_dimension_numbers<[1], [0], [0], [1], [0, 0, 1, 1], [], []>, transpose_lhs_hint = false} : vector<256x64xf32>, vector<64x64xf32>, vector<256x64xf32> -> vector<256x64xf32>
    %get3A_304 = arith.constant 0 : index
    %get3A_305 = arith.constant 0 : index
    %get3A_306 = vector.load %arg4[%get3A_304, %get3A_305] : memref<1x64xf32, #tpu.memory_space<vmem>>, vector<1x64xf32>
    %add3A_307 = vector.broadcast %get3A_306 : vector<1x64xf32> to vector<256x64xf32>
    %add3A_308 = arith.addf %dot_general3A_303, %add3A_307 : vector<256x64xf32>
    %ge3A_309 = arith.constant 0.000000e+00 : f32
    %ge3A_310 = vector.broadcast %ge3A_309 : f32 to vector<256x64xf32>
    %ge3A_311 = arith.cmpf oge, %add3A_308, %ge3A_310 : vector<256x64xf32>
    %mul3A_312 = arith.constant 2.000000e-01 : f32
    %mul3A_313 = vector.broadcast %mul3A_312 : f32 to vector<256x64xf32>
    %mul3A_314 = arith.mulf %mul3A_313, %add3A_308 : vector<256x64xf32>
    %select_n3A_315 = arith.select %ge3A_311, %add3A_308, %mul3A_314 : vector<256x64xi1>, vector<256x64xf32>
    %add3A_316 = arith.addf %add3A_284, %select_n3A_315 : vector<256x64xf32>
    %get3A_317 = arith.constant 10 : index
    %get3A_318 = arith.constant 0 : index
    %get3A_319 = arith.constant 0 : index
    %get3A_320 = vector.load %arg2[%get3A_317, %get3A_318, %get3A_319] : memref<16x256x128xf32, #tpu.memory_space<vmem>>, vector<1x256x128xf32>
    %get3A_321 = vector.shape_cast %get3A_320 : vector<1x256x128xf32> to vector<256x128xf32>
    %slice3A_322 = vector.extract_strided_slice %get3A_321 {offsets = [0, 0], sizes = [256, 64], strides = [1, 1]} : vector<256x128xf32> to vector<256x64xf32>
    %add3A_323 = arith.addf %get3A_1, %slice3A_322 : vector<256x64xf32>
    %ge3A_324 = arith.constant 0.000000e+00 : f32
    %ge3A_325 = vector.broadcast %ge3A_324 : f32 to vector<256x64xf32>
    %ge3A_326 = arith.cmpf oge, %add3A_323, %ge3A_325 : vector<256x64xf32>
    %mul3A_327 = arith.constant 2.000000e-01 : f32
    %mul3A_328 = vector.broadcast %mul3A_327 : f32 to vector<256x64xf32>
    %mul3A_329 = arith.mulf %mul3A_328, %add3A_323 : vector<256x64xf32>
    %select_n3A_330 = arith.select %ge3A_326, %add3A_323, %mul3A_329 : vector<256x64xi1>, vector<256x64xf32>
    %get3A_331 = arith.constant 0 : index
    %get3A_332 = arith.constant 0 : index
    %get3A_333 = vector.load %arg3[%get3A_331, %get3A_332] : memref<64x64xf32, #tpu.memory_space<vmem>>, vector<64x64xf32>
    %dot_general3A_334 = arith.constant dense<0.000000e+00> : vector<256x64xf32>
    %dot_general3A_335 = tpu.matmul %select_n3A_330, %get3A_333, %dot_general3A_334 {dimension_numbers = #tpu.dot_dimension_numbers<[1], [0], [0], [1], [0, 0, 1, 1], [], []>, transpose_lhs_hint = false} : vector<256x64xf32>, vector<64x64xf32>, vector<256x64xf32> -> vector<256x64xf32>
    %get3A_336 = arith.constant 0 : index
    %get3A_337 = arith.constant 0 : index
    %get3A_338 = vector.load %arg4[%get3A_336, %get3A_337] : memref<1x64xf32, #tpu.memory_space<vmem>>, vector<1x64xf32>
    %add3A_339 = vector.broadcast %get3A_338 : vector<1x64xf32> to vector<256x64xf32>
    %add3A_340 = arith.addf %dot_general3A_335, %add3A_339 : vector<256x64xf32>
    %ge3A_341 = arith.constant 0.000000e+00 : f32
    %ge3A_342 = vector.broadcast %ge3A_341 : f32 to vector<256x64xf32>
    %ge3A_343 = arith.cmpf oge, %add3A_340, %ge3A_342 : vector<256x64xf32>
    %mul3A_344 = arith.constant 2.000000e-01 : f32
    %mul3A_345 = vector.broadcast %mul3A_344 : f32 to vector<256x64xf32>
    %mul3A_346 = arith.mulf %mul3A_345, %add3A_340 : vector<256x64xf32>
    %select_n3A_347 = arith.select %ge3A_343, %add3A_340, %mul3A_346 : vector<256x64xi1>, vector<256x64xf32>
    %add3A_348 = arith.addf %add3A_316, %select_n3A_347 : vector<256x64xf32>
    %get3A_349 = arith.constant 11 : index
    %get3A_350 = arith.constant 0 : index
    %get3A_351 = arith.constant 0 : index
    %get3A_352 = vector.load %arg2[%get3A_349, %get3A_350, %get3A_351] : memref<16x256x128xf32, #tpu.memory_space<vmem>>, vector<1x256x128xf32>
    %get3A_353 = vector.shape_cast %get3A_352 : vector<1x256x128xf32> to vector<256x128xf32>
    %slice3A_354 = vector.extract_strided_slice %get3A_353 {offsets = [0, 0], sizes = [256, 64], strides = [1, 1]} : vector<256x128xf32> to vector<256x64xf32>
    %add3A_355 = arith.addf %get3A_1, %slice3A_354 : vector<256x64xf32>
    %ge3A_356 = arith.constant 0.000000e+00 : f32
    %ge3A_357 = vector.broadcast %ge3A_356 : f32 to vector<256x64xf32>
    %ge3A_358 = arith.cmpf oge, %add3A_355, %ge3A_357 : vector<256x64xf32>
    %mul3A_359 = arith.constant 2.000000e-01 : f32
    %mul3A_360 = vector.broadcast %mul3A_359 : f32 to vector<256x64xf32>
    %mul3A_361 = arith.mulf %mul3A_360, %add3A_355 : vector<256x64xf32>
    %select_n3A_362 = arith.select %ge3A_358, %add3A_355, %mul3A_361 : vector<256x64xi1>, vector<256x64xf32>
    %get3A_363 = arith.constant 0 : index
    %get3A_364 = arith.constant 0 : index
    %get3A_365 = vector.load %arg3[%get3A_363, %get3A_364] : memref<64x64xf32, #tpu.memory_space<vmem>>, vector<64x64xf32>
    %dot_general3A_366 = arith.constant dense<0.000000e+00> : vector<256x64xf32>
    %dot_general3A_367 = tpu.matmul %select_n3A_362, %get3A_365, %dot_general3A_366 {dimension_numbers = #tpu.dot_dimension_numbers<[1], [0], [0], [1], [0, 0, 1, 1], [], []>, transpose_lhs_hint = false} : vector<256x64xf32>, vector<64x64xf32>, vector<256x64xf32> -> vector<256x64xf32>
    %get3A_368 = arith.constant 0 : index
    %get3A_369 = arith.constant 0 : index
    %get3A_370 = vector.load %arg4[%get3A_368, %get3A_369] : memref<1x64xf32, #tpu.memory_space<vmem>>, vector<1x64xf32>
    %add3A_371 = vector.broadcast %get3A_370 : vector<1x64xf32> to vector<256x64xf32>
    %add3A_372 = arith.addf %dot_general3A_367, %add3A_371 : vector<256x64xf32>
    %ge3A_373 = arith.constant 0.000000e+00 : f32
    %ge3A_374 = vector.broadcast %ge3A_373 : f32 to vector<256x64xf32>
    %ge3A_375 = arith.cmpf oge, %add3A_372, %ge3A_374 : vector<256x64xf32>
    %mul3A_376 = arith.constant 2.000000e-01 : f32
    %mul3A_377 = vector.broadcast %mul3A_376 : f32 to vector<256x64xf32>
    %mul3A_378 = arith.mulf %mul3A_377, %add3A_372 : vector<256x64xf32>
    %select_n3A_379 = arith.select %ge3A_375, %add3A_372, %mul3A_378 : vector<256x64xi1>, vector<256x64xf32>
    %add3A_380 = arith.addf %add3A_348, %select_n3A_379 : vector<256x64xf32>
    %get3A_381 = arith.constant 12 : index
    %get3A_382 = arith.constant 0 : index
    %get3A_383 = arith.constant 0 : index
    %get3A_384 = vector.load %arg2[%get3A_381, %get3A_382, %get3A_383] : memref<16x256x128xf32, #tpu.memory_space<vmem>>, vector<1x256x128xf32>
    %get3A_385 = vector.shape_cast %get3A_384 : vector<1x256x128xf32> to vector<256x128xf32>
    %slice3A_386 = vector.extract_strided_slice %get3A_385 {offsets = [0, 0], sizes = [256, 64], strides = [1, 1]} : vector<256x128xf32> to vector<256x64xf32>
    %add3A_387 = arith.addf %get3A_1, %slice3A_386 : vector<256x64xf32>
    %ge3A_388 = arith.constant 0.000000e+00 : f32
    %ge3A_389 = vector.broadcast %ge3A_388 : f32 to vector<256x64xf32>
    %ge3A_390 = arith.cmpf oge, %add3A_387, %ge3A_389 : vector<256x64xf32>
    %mul3A_391 = arith.constant 2.000000e-01 : f32
    %mul3A_392 = vector.broadcast %mul3A_391 : f32 to vector<256x64xf32>
    %mul3A_393 = arith.mulf %mul3A_392, %add3A_387 : vector<256x64xf32>
    %select_n3A_394 = arith.select %ge3A_390, %add3A_387, %mul3A_393 : vector<256x64xi1>, vector<256x64xf32>
    %get3A_395 = arith.constant 0 : index
    %get3A_396 = arith.constant 0 : index
    %get3A_397 = vector.load %arg3[%get3A_395, %get3A_396] : memref<64x64xf32, #tpu.memory_space<vmem>>, vector<64x64xf32>
    %dot_general3A_398 = arith.constant dense<0.000000e+00> : vector<256x64xf32>
    %dot_general3A_399 = tpu.matmul %select_n3A_394, %get3A_397, %dot_general3A_398 {dimension_numbers = #tpu.dot_dimension_numbers<[1], [0], [0], [1], [0, 0, 1, 1], [], []>, transpose_lhs_hint = false} : vector<256x64xf32>, vector<64x64xf32>, vector<256x64xf32> -> vector<256x64xf32>
    %get3A_400 = arith.constant 0 : index
    %get3A_401 = arith.constant 0 : index
    %get3A_402 = vector.load %arg4[%get3A_400, %get3A_401] : memref<1x64xf32, #tpu.memory_space<vmem>>, vector<1x64xf32>
    %add3A_403 = vector.broadcast %get3A_402 : vector<1x64xf32> to vector<256x64xf32>
    %add3A_404 = arith.addf %dot_general3A_399, %add3A_403 : vector<256x64xf32>
    %ge3A_405 = arith.constant 0.000000e+00 : f32
    %ge3A_406 = vector.broadcast %ge3A_405 : f32 to vector<256x64xf32>
    %ge3A_407 = arith.cmpf oge, %add3A_404, %ge3A_406 : vector<256x64xf32>
    %mul3A_408 = arith.constant 2.000000e-01 : f32
    %mul3A_409 = vector.broadcast %mul3A_408 : f32 to vector<256x64xf32>
    %mul3A_410 = arith.mulf %mul3A_409, %add3A_404 : vector<256x64xf32>
    %select_n3A_411 = arith.select %ge3A_407, %add3A_404, %mul3A_410 : vector<256x64xi1>, vector<256x64xf32>
    %add3A_412 = arith.addf %add3A_380, %select_n3A_411 : vector<256x64xf32>
    %get3A_413 = arith.constant 13 : index
    %get3A_414 = arith.constant 0 : index
    %get3A_415 = arith.constant 0 : index
    %get3A_416 = vector.load %arg2[%get3A_413, %get3A_414, %get3A_415] : memref<16x256x128xf32, #tpu.memory_space<vmem>>, vector<1x256x128xf32>
    %get3A_417 = vector.shape_cast %get3A_416 : vector<1x256x128xf32> to vector<256x128xf32>
    %slice3A_418 = vector.extract_strided_slice %get3A_417 {offsets = [0, 0], sizes = [256, 64], strides = [1, 1]} : vector<256x128xf32> to vector<256x64xf32>
    %add3A_419 = arith.addf %get3A_1, %slice3A_418 : vector<256x64xf32>
    %ge3A_420 = arith.constant 0.000000e+00 : f32
    %ge3A_421 = vector.broadcast %ge3A_420 : f32 to vector<256x64xf32>
    %ge3A_422 = arith.cmpf oge, %add3A_419, %ge3A_421 : vector<256x64xf32>
    %mul3A_423 = arith.constant 2.000000e-01 : f32
    %mul3A_424 = vector.broadcast %mul3A_423 : f32 to vector<256x64xf32>
    %mul3A_425 = arith.mulf %mul3A_424, %add3A_419 : vector<256x64xf32>
    %select_n3A_426 = arith.select %ge3A_422, %add3A_419, %mul3A_425 : vector<256x64xi1>, vector<256x64xf32>
    %get3A_427 = arith.constant 0 : index
    %get3A_428 = arith.constant 0 : index
    %get3A_429 = vector.load %arg3[%get3A_427, %get3A_428] : memref<64x64xf32, #tpu.memory_space<vmem>>, vector<64x64xf32>
    %dot_general3A_430 = arith.constant dense<0.000000e+00> : vector<256x64xf32>
    %dot_general3A_431 = tpu.matmul %select_n3A_426, %get3A_429, %dot_general3A_430 {dimension_numbers = #tpu.dot_dimension_numbers<[1], [0], [0], [1], [0, 0, 1, 1], [], []>, transpose_lhs_hint = false} : vector<256x64xf32>, vector<64x64xf32>, vector<256x64xf32> -> vector<256x64xf32>
    %get3A_432 = arith.constant 0 : index
    %get3A_433 = arith.constant 0 : index
    %get3A_434 = vector.load %arg4[%get3A_432, %get3A_433] : memref<1x64xf32, #tpu.memory_space<vmem>>, vector<1x64xf32>
    %add3A_435 = vector.broadcast %get3A_434 : vector<1x64xf32> to vector<256x64xf32>
    %add3A_436 = arith.addf %dot_general3A_431, %add3A_435 : vector<256x64xf32>
    %ge3A_437 = arith.constant 0.000000e+00 : f32
    %ge3A_438 = vector.broadcast %ge3A_437 : f32 to vector<256x64xf32>
    %ge3A_439 = arith.cmpf oge, %add3A_436, %ge3A_438 : vector<256x64xf32>
    %mul3A_440 = arith.constant 2.000000e-01 : f32
    %mul3A_441 = vector.broadcast %mul3A_440 : f32 to vector<256x64xf32>
    %mul3A_442 = arith.mulf %mul3A_441, %add3A_436 : vector<256x64xf32>
    %select_n3A_443 = arith.select %ge3A_439, %add3A_436, %mul3A_442 : vector<256x64xi1>, vector<256x64xf32>
    %add3A_444 = arith.addf %add3A_412, %select_n3A_443 : vector<256x64xf32>
    %get3A_445 = arith.constant 14 : index
    %get3A_446 = arith.constant 0 : index
    %get3A_447 = arith.constant 0 : index
    %get3A_448 = vector.load %arg2[%get3A_445, %get3A_446, %get3A_447] : memref<16x256x128xf32, #tpu.memory_space<vmem>>, vector<1x256x128xf32>
    %get3A_449 = vector.shape_cast %get3A_448 : vector<1x256x128xf32> to vector<256x128xf32>
    %slice3A_450 = vector.extract_strided_slice %get3A_449 {offsets = [0, 0], sizes = [256, 64], strides = [1, 1]} : vector<256x128xf32> to vector<256x64xf32>
    %add3A_451 = arith.addf %get3A_1, %slice3A_450 : vector<256x64xf32>
    %ge3A_452 = arith.constant 0.000000e+00 : f32
    %ge3A_453 = vector.broadcast %ge3A_452 : f32 to vector<256x64xf32>
    %ge3A_454 = arith.cmpf oge, %add3A_451, %ge3A_453 : vector<256x64xf32>
    %mul3A_455 = arith.constant 2.000000e-01 : f32
    %mul3A_456 = vector.broadcast %mul3A_455 : f32 to vector<256x64xf32>
    %mul3A_457 = arith.mulf %mul3A_456, %add3A_451 : vector<256x64xf32>
    %select_n3A_458 = arith.select %ge3A_454, %add3A_451, %mul3A_457 : vector<256x64xi1>, vector<256x64xf32>
    %get3A_459 = arith.constant 0 : index
    %get3A_460 = arith.constant 0 : index
    %get3A_461 = vector.load %arg3[%get3A_459, %get3A_460] : memref<64x64xf32, #tpu.memory_space<vmem>>, vector<64x64xf32>
    %dot_general3A_462 = arith.constant dense<0.000000e+00> : vector<256x64xf32>
    %dot_general3A_463 = tpu.matmul %select_n3A_458, %get3A_461, %dot_general3A_462 {dimension_numbers = #tpu.dot_dimension_numbers<[1], [0], [0], [1], [0, 0, 1, 1], [], []>, transpose_lhs_hint = false} : vector<256x64xf32>, vector<64x64xf32>, vector<256x64xf32> -> vector<256x64xf32>
    %get3A_464 = arith.constant 0 : index
    %get3A_465 = arith.constant 0 : index
    %get3A_466 = vector.load %arg4[%get3A_464, %get3A_465] : memref<1x64xf32, #tpu.memory_space<vmem>>, vector<1x64xf32>
    %add3A_467 = vector.broadcast %get3A_466 : vector<1x64xf32> to vector<256x64xf32>
    %add3A_468 = arith.addf %dot_general3A_463, %add3A_467 : vector<256x64xf32>
    %ge3A_469 = arith.constant 0.000000e+00 : f32
    %ge3A_470 = vector.broadcast %ge3A_469 : f32 to vector<256x64xf32>
    %ge3A_471 = arith.cmpf oge, %add3A_468, %ge3A_470 : vector<256x64xf32>
    %mul3A_472 = arith.constant 2.000000e-01 : f32
    %mul3A_473 = vector.broadcast %mul3A_472 : f32 to vector<256x64xf32>
    %mul3A_474 = arith.mulf %mul3A_473, %add3A_468 : vector<256x64xf32>
    %select_n3A_475 = arith.select %ge3A_471, %add3A_468, %mul3A_474 : vector<256x64xi1>, vector<256x64xf32>
    %add3A_476 = arith.addf %add3A_444, %select_n3A_475 : vector<256x64xf32>
    %get3A_477 = arith.constant 15 : index
    %get3A_478 = arith.constant 0 : index
    %get3A_479 = arith.constant 0 : index
    %get3A_480 = vector.load %arg2[%get3A_477, %get3A_478, %get3A_479] : memref<16x256x128xf32, #tpu.memory_space<vmem>>, vector<1x256x128xf32>
    %get3A_481 = vector.shape_cast %get3A_480 : vector<1x256x128xf32> to vector<256x128xf32>
    %slice3A_482 = vector.extract_strided_slice %get3A_481 {offsets = [0, 0], sizes = [256, 64], strides = [1, 1]} : vector<256x128xf32> to vector<256x64xf32>
    %add3A_483 = arith.addf %get3A_1, %slice3A_482 : vector<256x64xf32>
    %ge3A_484 = arith.constant 0.000000e+00 : f32
    %ge3A_485 = vector.broadcast %ge3A_484 : f32 to vector<256x64xf32>
    %ge3A_486 = arith.cmpf oge, %add3A_483, %ge3A_485 : vector<256x64xf32>
    %mul3A_487 = arith.constant 2.000000e-01 : f32
    %mul3A_488 = vector.broadcast %mul3A_487 : f32 to vector<256x64xf32>
    %mul3A_489 = arith.mulf %mul3A_488, %add3A_483 : vector<256x64xf32>
    %select_n3A_490 = arith.select %ge3A_486, %add3A_483, %mul3A_489 : vector<256x64xi1>, vector<256x64xf32>
    %get3A_491 = arith.constant 0 : index
    %get3A_492 = arith.constant 0 : index
    %get3A_493 = vector.load %arg3[%get3A_491, %get3A_492] : memref<64x64xf32, #tpu.memory_space<vmem>>, vector<64x64xf32>
    %dot_general3A_494 = arith.constant dense<0.000000e+00> : vector<256x64xf32>
    %dot_general3A_495 = tpu.matmul %select_n3A_490, %get3A_493, %dot_general3A_494 {dimension_numbers = #tpu.dot_dimension_numbers<[1], [0], [0], [1], [0, 0, 1, 1], [], []>, transpose_lhs_hint = false} : vector<256x64xf32>, vector<64x64xf32>, vector<256x64xf32> -> vector<256x64xf32>
    %get3A_496 = arith.constant 0 : index
    %get3A_497 = arith.constant 0 : index
    %get3A_498 = vector.load %arg4[%get3A_496, %get3A_497] : memref<1x64xf32, #tpu.memory_space<vmem>>, vector<1x64xf32>
    %add3A_499 = vector.broadcast %get3A_498 : vector<1x64xf32> to vector<256x64xf32>
    %add3A_500 = arith.addf %dot_general3A_495, %add3A_499 : vector<256x64xf32>
    %ge3A_501 = arith.constant 0.000000e+00 : f32
    %ge3A_502 = vector.broadcast %ge3A_501 : f32 to vector<256x64xf32>
    %ge3A_503 = arith.cmpf oge, %add3A_500, %ge3A_502 : vector<256x64xf32>
    %mul3A_504 = arith.constant 2.000000e-01 : f32
    %mul3A_505 = vector.broadcast %mul3A_504 : f32 to vector<256x64xf32>
    %mul3A_506 = arith.mulf %mul3A_505, %add3A_500 : vector<256x64xf32>
    %select_n3A_507 = arith.select %ge3A_503, %add3A_500, %mul3A_506 : vector<256x64xi1>, vector<256x64xf32>
    %add3A_508 = arith.addf %add3A_476, %select_n3A_507 : vector<256x64xf32>
    %mul3A_509 = arith.constant 6.250000e-02 : f32
    %mul3A_510 = vector.broadcast %mul3A_509 : f32 to vector<256x64xf32>
    %mul3A_511 = arith.mulf %add3A_508, %mul3A_510 : vector<256x64xf32>
    %reduce_sum3A = arith.constant dense<0.000000e+00> : vector<256xf32>
    %reduce_sum3A_512 = vector.multi_reduction <add>, %mul3A_511, %reduce_sum3A [1] : vector<256x64xf32> to vector<256xf32>
    %broadcast_in_dim3A_513 = vector.shape_cast %reduce_sum3A_512 : vector<256xf32> to vector<256x1xf32>
    %div3A = arith.constant 6.400000e+01 : f32
    %div3A_514 = vector.broadcast %div3A : f32 to vector<256x1xf32>
    %div3A_515 = arith.divf %broadcast_in_dim3A_513, %div3A_514 : vector<256x1xf32>
    %sub3A = vector.broadcast %div3A_515 : vector<256x1xf32> to vector<256x64xf32>
    %sub3A_516 = arith.subf %mul3A_511, %sub3A : vector<256x64xf32>
    %mul3A_517 = arith.mulf %sub3A_516, %sub3A_516 : vector<256x64xf32>
    %reduce_sum3A_518 = arith.constant dense<0.000000e+00> : vector<256xf32>
    %reduce_sum3A_519 = vector.multi_reduction <add>, %mul3A_517, %reduce_sum3A_518 [1] : vector<256x64xf32> to vector<256xf32>
    %broadcast_in_dim3A_520 = vector.shape_cast %reduce_sum3A_519 : vector<256xf32> to vector<256x1xf32>
    %div3A_521 = arith.constant 6.400000e+01 : f32
    %div3A_522 = vector.broadcast %div3A_521 : f32 to vector<256x1xf32>
    %div3A_523 = arith.divf %broadcast_in_dim3A_520, %div3A_522 : vector<256x1xf32>
    %add3A_524 = arith.constant 9.99999974E-6 : f32
    %add3A_525 = vector.broadcast %add3A_524 : f32 to vector<256x1xf32>
    %add3A_526 = arith.addf %div3A_523, %add3A_525 : vector<256x1xf32>
    %sqrt3A = math.sqrt %add3A_526 : vector<256x1xf32>
    %div3A_527 = vector.broadcast %sqrt3A : vector<256x1xf32> to vector<256x64xf32>
    %div3A_528 = arith.divf %sub3A_516, %div3A_527 : vector<256x64xf32>
    %get3A_529 = arith.constant 0 : index
    %get3A_530 = arith.constant 0 : index
    %get3A_531 = vector.load %arg5[%get3A_529, %get3A_530] : memref<1x64xf32, #tpu.memory_space<vmem>>, vector<1x64xf32>
    %mul3A_532 = vector.broadcast %get3A_531 : vector<1x64xf32> to vector<256x64xf32>
    %mul3A_533 = arith.mulf %div3A_528, %mul3A_532 : vector<256x64xf32>
    %get3A_534 = arith.constant 0 : index
    %get3A_535 = arith.constant 0 : index
    %get3A_536 = vector.load %arg6[%get3A_534, %get3A_535] : memref<1x64xf32, #tpu.memory_space<vmem>>, vector<1x64xf32>
    %add3A_537 = vector.broadcast %get3A_536 : vector<1x64xf32> to vector<256x64xf32>
    %add3A_538 = arith.addf %mul3A_533, %add3A_537 : vector<256x64xf32>
    %swap3A = arith.constant 0 : index
    %swap3A_539 = arith.constant 0 : index
    %swap3A_540 = vector.load %arg7[%swap3A, %swap3A_539] : memref<256x64xf32, #tpu.memory_space<vmem>>, vector<256x64xf32>
    tpu.vector_store %arg7[%swap3A, %swap3A_539], %add3A_538 {strides = array<i32>} : memref<256x64xf32, #tpu.memory_space<vmem>>, vector<256x64xf32>,
    return
  }
  func.func @transform_0(%arg0: i32) -> (i32, i32) {
    %c0_i32 = arith.constant 0 : i32
    %c0_i32_0 = arith.constant 0 : i32
    return %arg0, %c0_i32 : i32, i32
  }
  func.func @transform_1(%arg0: i32) -> (i32, i32, i32) {
    %c0_i32 = arith.constant 0 : i32
    %c0_i32_0 = arith.constant 0 : i32
    %c0_i32_1 = arith.constant 0 : i32
    return %c0_i32, %arg0, %c0_i32_0 : i32, i32, i32
  }
  func.func @transform_2(%arg0: i32) -> (i32, i32) {
    %c0_i32 = arith.constant 0 : i32
    %c0_i32_0 = arith.constant 0 : i32
    %c0_i32_1 = arith.constant 0 : i32
    return %c0_i32, %c0_i32_0 : i32, i32
  }
  func.func @transform_3(%arg0: i32) -> (i32, i32) {
    %c0_i32 = arith.constant 0 : i32
    %c0_i32_0 = arith.constant 0 : i32
    %c0_i32_1 = arith.constant 0 : i32
    return %c0_i32, %c0_i32_0 : i32, i32
  }
  func.func @transform_4(%arg0: i32) -> (i32, i32) {
    %c0_i32 = arith.constant 0 : i32
    %c0_i32_0 = arith.constant 0 : i32
    %c0_i32_1 = arith.constant 0 : i32
    return %c0_i32, %c0_i32_0 : i32, i32
  }
  func.func @transform_5(%arg0: i32) -> (i32, i32) {
    %c0_i32 = arith.constant 0 : i32
    %c0_i32_0 = arith.constant 0 : i32
    %c0_i32_1 = arith.constant 0 : i32
    return %c0_i32, %c0_i32_0 : i32, i32
  }
  func.func @transform_6(%arg0: i32) -> (i32, i32) {
    %c0_i32 = arith.constant 0 : i32
    %c0_i32_0 = arith.constant 0 : i32
    return %arg0, %c0_i32 : i32, i32
  }
}

</mosaic_0001>

<sc_bundles>
// kernel: kernel.14.cloned.1.call-start
scs
__scs_entry_jumppad:
0x0: {  	(pc) =	sbr.rel $0x88, $3  }
0x1: {  	(tag) =	ssettag $0x0;
	lr =	simm.s32 $0x1  }
0x2: {  	[smem:$0x3F9A] =	sst lr;
	_ =	strace $0xD0000000  }
0x3: {  	_ = 	snop  }
0x4: {  	_ = 	snop  }
0x5: {  	_ = 	snop  }
0x6: {  	_ = 	snop  }
0x7: {  	_ = 	snop  }
__scs_overlays_trampoline_lowered:
0x8: {  	[smem:$0x3FA9] =	sst s0  }
0x9: {  	[smem:$0x3FAA] =	sst s1  }
0xa: {  	[smem:$0x3FAB] =	sst s2  }
0xb: {  	[smem:$0x3FAC] =	sst s3  }
0xc: {  	[smem:$0x3FAD] =	sst s4  }
0xd: {  	[smem:$0x3FAE] =	sst s5  }
0xe: {  	[smem:$0x3FAF] =	sst s6  }
0xf: {  	[smem:$0x3FB0] =	sst s7  }
0x10: {  	[smem:$0x3FB1] =	sst s8  }
0x11: {  	[smem:$0x3FB2] =	sst s9;
	s0 =	simm.s32 @!p0 $0x0  }
0x12: {  	s1 =	sld [smem:$0x3F98];
	s0 =	simm.s32 @p0 $0x1  }
0x13: {  	[smem:$0x3FB3] =	sst s0;
	s0 =	simm.s32 @!p1 $0x0  }
0x14: {  	s2 =	sld [smem:$0x3F97];
	s0 =	simm.s32 @p1 $0x1  }
0x15: {  	[smem:$0x3FB4] =	sst s0;
	s0 =	simm.s32 @!p2 $0x0  }
0x16: {  	s3 =	sld [smem:$0x3FDB];
	s0 =	simm.s32 @p2 $0x1  }
0x17: {  	s4 =	simm.s32 $0x1BF5;
	[smem:$0x3FB6] =	sst s0  }
0x18: {  	s0 =	sld [smem:$0x3F99];
	_ =	swait.ge [sflag:s4], $0x0  }
0x19: {  	s7 =	sld [smem:$0x3F9A]  }
0x1a: {  	s8 =	sadd.s32 $0xFFFFE003, lr  }
0x1b: {  	s9 =	sadd.s32 $0xFFFFFEF7, lr;
	s5 =	simm.s32 $0xFFFFFFFF;
	p2 =	slt.u32 s8, $0xFFFFF086  }
0x1c: {  	p1 =	slt.u32 s9, $0xF7A;
	s5 =	simm.s32 @!p2 $0x0  }
0x1d: {  	s5 =	simm.s32 @p1 $0x1;
	p0 =	seq.s32 s7, s2  }
0x1e: {  	s7 =	smul.u32 @!p0 $0xF7A, s2;
	p2 =	seq.s32 @!p0 s5, $0x0  }
0x1f: {  	s9 =	smul.u32 $0xF7A, s1;
	s8 =	simm.s32 @!p0 $0x1BF5;
	p2 =	por !p2, p0  }
0x20: {  	[sflag:s8] =	ssyncset.s32 @!p0 $0xFFFFF086;
	s6 =	sadd.s32 @!p0 s3, s7;
	s7 =	simm.s32 @!p0 $0x108  }
0x21: {  	s3 =	sadd.s32 s3, s9;
	s6 =	sadd.s32 @!p0 $0x88, s6;
	s7 =	simm.s32 @p2 $0x1082  }
0x22: {  	[simem:s7], [sflag:s8] =	dma.local @!p0 [hbm:s6], $0xF7A  }
0x23: {  	s9 =	sor.u32 $0xD0000000, s2;
	s6 =	simm.s32 $0x108;
	_ =	swait.ge @!p0 [sflag:s8], $0x0  }
0x24: {  	s3 =	sadd.s32 $0x88, s3;
	s6 =	simm.s32 @!p1 $0x1082;
	[sflag:s4] =	ssyncset.s32 $0xFFFFF086  }
0x25: {  	[simem:s6], [sflag:s4] =	dma.local [hbm:s3], $0xF7A  }
0x26: {  	[smem:$0x3F9A] =	sst s1;
	(tag) =	ssettag s2;
	_ =	strace s9  }
0x27: {  	s1 =	sld [smem:$0x3FAA]  }
0x28: {  	s2 =	sld [smem:$0x3FAB]  }
0x29: {  	s4 =	sld [smem:$0x3FAD]  }
0x2a: {  	p0 =	seq.s32 s5, $0x0;
	s5 =	sld [smem:$0x3FAE]  }
0x2b: {  	s6 =	sld [smem:$0x3FAF]  }
0x2c: {  	s7 =	sld [smem:$0x3FB0]  }
0x2d: {  	s3 =	simm.s32 $0x108;
	s8 =	sld [smem:$0x3FB1]  }
0x2e: {  	s3 =	simm.s32 @!p0 $0x1082;
	s9 =	sld [smem:$0x3FB2]  }
0x2f: {  	lr =	sadd.s32 s0, s3;
	s0 =	sld [smem:$0x3FA9]  }
0x30: {  	s3 =	sld [smem:$0x3FAC]  }
0x31: {  	[smem:$0x3FB5] =	sst s10  }
0x32: {  	s10 =	sld [smem:$0x3FB3];
	_ =	sdelay $0x3  }
0x33: {  	p0 =	seq.s32 s10, $0x1;
	s10 =	sld [smem:$0x3FB5];
	_ =	sdelay $0x3  }
0x34: {  	[smem:$0x3FB5] =	sst s10  }
0x35: {  	s10 =	sld [smem:$0x3FB4];
	_ =	sdelay $0x3  }
0x36: {  	p1 =	seq.s32 s10, $0x1;
	s10 =	sld [smem:$0x3FB5];
	_ =	sdelay $0x3  }
0x37: {  	[smem:$0x3FB5] =	sst s10  }
0x38: {  	s10 =	sld [smem:$0x3FB6]  }
0x39: {  	_ = 	snop;
	(pc) =	sbr.ind lr, $3  }
0x3a: {  	_ = 	snop  }
0x3b: {  	_ = 	snop  }
0x3c: {  	p2 =	seq.s32 s10, $0x1;
	s10 =	sld [smem:$0x3FB5]  }
0x3d: {  	_ =	shalt  }
0x3e: {  	_ =	shalt  }
0x3f: {  	_ =	shalt  }
0x40: {  	_ =	shalt  }
0x41: {  	_ =	shalt  }
0x42: {  	_ =	shalt  }
0x43: {  	_ =	shalt  }
0x44: {  	_ =	shalt  }
0x45: {  	_ =	shalt  }
0x46: {  	_ =	shalt  }
0x47: {  	_ =	shalt  }
0x48: {  	_ =	shalt  }
0x49: {  	_ =	shalt  }
0x4a: {  	_ =	shalt  }
0x4b: {  	_ =	shalt  }
0x4c: {  	_ =	shalt  }
0x4d: {  	_ =	shalt  }
0x4e: {  	_ =	shalt  }
0x4f: {  	_ =	shalt  }
0x50: {  	_ =	shalt  }
0x51: {  	_ =	shalt  }
0x52: {  	_ =	shalt  }
0x53: {  	_ =	shalt  }
0x54: {  	_ =	shalt  }
0x55: {  	_ =	shalt  }
0x56: {  	_ =	shalt  }
0x57: {  	_ =	shalt  }
0x58: {  	_ =	shalt  }
0x59: {  	_ =	shalt  }
0x5a: {  	_ =	shalt  }
0x5b: {  	_ =	shalt  }
0x5c: {  	_ =	shalt  }
0x5d: {  	_ =	shalt  }
0x5e: {  	_ =	shalt  }
0x5f: {  	_ =	shalt  }
0x60: {  	_ =	shalt  }
0x61: {  	_ =	shalt  }
0x62: {  	_ =	shalt  }
0x63: {  	_ =	shalt  }
0x64: {  	_ =	shalt  }
0x65: {  	_ =	shalt  }
0x66: {  	_ =	shalt  }
0x67: {  	_ =	shalt  }
0x68: {  	_ =	shalt  }
0x69: {  	_ =	shalt  }
0x6a: {  	_ =	shalt  }
0x6b: {  	_ =	shalt  }
0x6c: {  	_ =	shalt  }
0x6d: {  	_ =	shalt  }
0x6e: {  	_ =	shalt  }
0x6f: {  	_ =	shalt  }
0x70: {  	_ =	shalt  }
0x71: {  	_ =	shalt  }
0x72: {  	_ =	shalt  }
0x73: {  	_ =	shalt  }
0x74: {  	_ =	shalt  }
0x75: {  	_ =	shalt  }
0x76: {  	_ =	shalt  }
0x77: {  	_ =	shalt  }
0x78: {  	_ =	shalt  }
0x79: {  	_ =	shalt  }
0x7a: {  	_ =	shalt  }
0x7b: {  	_ =	shalt  }
0x7c: {  	_ =	shalt  }
0x7d: {  	_ =	shalt  }
0x7e: {  	_ =	shalt  }
0x7f: {  	_ =	shalt  }
0x80: {  	_ =	shalt  }
0x81: {  	_ =	shalt  }
0x82: {  	_ =	shalt  }
0x83: {  	_ =	shalt  }
0x84: {  	_ =	shalt  }
0x85: {  	_ =	shalt  }
0x86: {  	_ =	shalt  }
0x87: {  	_ =	shalt  }
.Lfunc_end0:
.L_simem_size_0:
called_computation_lowered:
.L_overlay_start_0:
0x88: {  	s2 =	sld [smem:$0x3FD9]  }
0x89: {  	s3 =	sld [smem:$0x3FFE];
	_ =	sdelay $0x1  }
0x8a: {  	s1 =	srdreg.scid  }
0x8b: {  	s0 =	sand.u32 $0x1, s1  }
0x8c: {  	s17 =	sshll.u32 s0, $0xA;
	s2 =	sadd.s32 s3, s2  }
0x8d: {  	s2 =	sadd.s32 s2, s17  }
0x8e: {  	[smem:$0x3FC1] =	sst s2  }
0x8f: {  	_ = 	snop  }
0x90: {  	(tm) =	ssettm $0x1  }
0x91: {  	s18 =	sld [smem:$0x3FFB];
	_ =	sdelay $0x3  }
0x92: {  	_ =	strace s18  }
0x93: {  	s2 =	sld [smem:$0x3FFC];
	_ =	sdelay $0x3  }
0x94: {  	_ =	strace s2  }
0x95: {  	s2 =	sld [smem:$0x3FFD];
	_ =	sdelay $0x3  }
0x96: {  	_ =	strace s2  }
0x97: {  	_ =	strace $0x8FFFFFFF  }
0x98: {  	s19 =	sld [smem:$0x3FDB];
	_ =	sdelay $0x1  }
0x99: {  	s20 =	simm.s32 $_scs_section_size  }
0x9a: {  	s4 =	simm.s32 $_size__tile_overlayer_lowered;
	s5 =	simm.s32 $_tile_overlayer_lowered  }
0x9b: {  	s6 =	simm.s32 $0x1BFF;
	s21 =	sshll.u32 s5, $0x1;
	s3 =	sadd.s32 s20, s19  }
0x9c: {  	s22 =	simm.s32 $0x0;
	s4 =	sshll.u32 s4, $0x1;
	s5 =	sadd.s32 s21, s3  }
0x9d: {  	[timem:s22], [sflag:s6] =	dma.local [hbm:s5], s4  }
0x9e: {  	_ =	swait.ge [sflag:s6], s4  }
0x9f: {  	s4 =	ssub.s32 $0x0, s4;
	[sflag:s6] =	ssyncset.done $0x0  }
0xa0: {  	[sflag:s6] =	ssyncadd.s32 s4;
	_ =	sdelay $0x1  }
0xa1: {  	s23 =	simm.s32 $0x1B8B  }
0xa2: {  	_ =	swait.ge [sflag:s23], $0x1  }
0xa3: {  	[sflag:s23] =	ssyncset.done $0x0  }
0xa4: {  	[sflag:s23] =	ssyncadd.s32 $0xFFFFFFFF  }
0xa5: {  	s4 =	sld [smem:$0x0]  }
0xa6: {  	s5 =	sand.u32 $0xFFFFFFFE, s1  }
0xa7: {  	p0 =	sne.s32 s1, s5  }
0xa8: {  	s5 =	sshll.u32 @p0 s5, $0xE  }
0xa9: {  	s5 =	sadd.s32 @p0 $0x11B8D, s5;
	s6 =	sshll.u32 @p0 s4, $0x11  }
0xaa: {  	s5 =	sor.u32 @p0 s6, s5  }
0xab: {  	[sflag:s5] =	ssyncadd.remote.s32 @p0 $0x1;
	_ =	sdelay $0x1  }
0xac: {  	s5 =	simm.s32 @p0 $0x1B8D  }
0xad: {  	_ =	swait.eq @p0 [sflag:s5], $0x1  }
0xae: {  	[sflag:s5] =	ssyncadd.s32 @p0 $0xFFFFFFFF  }
0xaf: {  	s6 =	sshll.u32 @!p0 s1, $0xE  }
0xb0: {  	s6 =	sor.u32 @!p0 $0x4000, s6;
	s5 =	simm.s32 @!p0 $0x1B8D  }
0xb1: {  	s4 =	sshll.u32 @!p0 s4, $0x11;
	s6 =	sadd.s32 @!p0 $0x11B8D, s6;
	_ =	swait.eq @!p0 [sflag:s5], $0x1  }
0xb2: {  	s4 =	sor.u32 @!p0 s4, s6;
	[sflag:s5] =	ssyncadd.s32 @!p0 $0xFFFFFFFF  }
0xb3: {  	s25 =	simm.s32 $0x1B8E;
	s24 =	sld [smem:$0x3FFE];
	[sflag:s4] =	ssyncadd.remote.s32 @!p0 $0x1  }
0xb4: {  	s26 =	simm.s32 $execute0_lowered;
	[smem:$0x3FD2] =	sst s25  }
0xb5: {  	s5 =	sshll.u32 s26, $0x1;
	_ =	strace $0x8000004F;
	[dreg:$0x1] =	wrdreg $0xFFFFFFFF  }
0xb6: {  	s28 =	simm.s32 $_size_execute0_lowered;
	s3 =	sadd.s32 s3, s5;
	[dreg:$0x0] =	wrdreg $0x0  }
0xb7: {  	s5 =	sshll.u32 s28, $0x1;
	[dreg:$0x2] =	wrdreg s3  }
0xb8: {  	[dreg:$0x3] =	wrdreg s5  }
0xb9: {  	[dreg:$0x4] =	wrdreg $0xC0  }
0xba: {  	_ =	task [dreg:s22], $0x5FFFF  }
0xbb: {  	[dreg:$0x1] =	wrdreg $0xFFFFFFFF  }
0xbc: {  	[dreg:$0x0] =	wrdreg $0x60  }
0xbd: {  	[dreg:$0x2] =	wrdreg s24  }
0xbe: {  	[dreg:$0x3] =	wrdreg $0x9  }
0xbf: {  	_ =	task.clear_ibuf [dreg:s22], $0x4FFFF;
	_ =	strace $0x9000004F  }
0xc0: {  	s29 =	simm.s32 $0x9;
	_ =	strace $0x80000051  }
0xc1: {  	_ =	swait.ge [sflag:s29], $0x1  }
0xc2: {  	[sflag:s29] =	ssyncadd.s32 $0xFFFFFFFF  }
0xc3: {  	_ =	strace $0x90000051  }
0xc4: {  	_ =	sfence  }
0xc5: {  	s30 =	sld [smem:$0x0];
	_ =	sdelay $0x2  }
0xc6: {  	s31 =	sshll.u32 s1, $0xD;
	s1 =	sshrl.u32 s1, $0x2  }
0xc7: {  	s4 =	sand.u32 $0x4000, s31;
	s1 =	sadd.s32 s1, s30  }
0xc8: {  	s0 =	sor.u32 s4, s0;
	s1 =	sshll.u32 s1, $0x11  }
0xc9: {  	s0 =	sor.u32 s1, s0  }
0xca: {  	s0 =	sadd.s32 $0x8F2B, s0  }
0xcb: {  	[sflag:s0] =	ssyncadd.remote.s32 $0x1  }
0xcc: {  	_ =	sfence.sel $0xFFFF  }
0xcd: {  	[dreg:$0x0] =	wrdreg $0xFFFFFFFF;
	(pc) =	sbr.abs _section_cstart, $3  }
0xce: {  	[dreg:$0x1] =	wrdreg $0xFFFFFFFF  }
0xcf: {  	_ =	task.clear_ibuf [dreg:s22], $0x2FFFF;
	_ =	strace $0x9FFFFFFF  }
0xd0: {  	(tm) =	ssettm $0x7FFFFFFF  }
0xd1: {  	_ =	shalt  }
tec
execute0_lowered:
.L_overlay_start_1:
0x0: {  	(tag) =	ssettag $0x1  }
0x1: {  	s4 =	rddreg [dreg:$0x0]  }
0x2: {  	s0 =	rddreg [dreg:$0x1];
	s2 =	simm.s32 $0x0;
	s3 =	srdreg.scid  }
0x3: {  	s1 =	stileid.u32;
	s10 =	simm.s32 $0x0;
	[smem:$0x7FF] =	sst s2  }
0x4: {  	s5 =	sand.u32 $0x1, s3;
	s6 =	sshll.u32 s1, $0xC;
	s3 =	sadd.s32 $0x339400, s4  }
0x5: {  	s8 =	sshll.u32 s1, $0x10;
	_ =	strace $0x80000050;
	s7 =	sshll.u32 s5, $0xB  }
0x6: {  	s31 =	ssub.s32 $0x2, s5;
	s8 =	sadd.s32 s8, s4;
	s5 =	sshll.u32 s5, $0xF  }
0x7: {  	s6 =	sor.u32 s7, s6;
	s9 =	sshrl.u32 s31, $0x1;
	s5 =	sadd.s32 s5, s8  }
0x8: {  	s8 =	simm.s32 $0x80;
	s6 =	sshrl.u32 s6, $0x3;
	s7 =	ssub.s32 s31, s9  }
0x9: {  	s5 =	sadd.s32 $0x34B400, s5;
	s9 =	simm.s32 $0x1;
	s6 =	sadd.s32 s6, s4  }
0xa: {  	s4 =	smax.u32 s7, $0x1;
	s7 =	simm.s32 $0x2;
	s6 =	sadd.s32 $0x349400, s6  }
.LBB2_1:
0xb: {  	s11 =	sadd.s32 $0x0, s6  }
0xc: {  	[tilespmem:s2], [sflag:$0x2] =	stream.linear.gather [hbm4b:s11+s2], $0x80, $0x38;
	[tilespmem:$0x4080] =	vst v63  }
0xd: {  	_ =	swait.ge [sflag:s7], $0x80  }
0xe: {  	[sflag:s7] =	ssyncset.done $0x0  }
0xf: {  	[sflag:s7] =	ssyncadd.s32 $0xFFFFFF80  }
0x10: {  	[tilespmem:s8], [sflag:$0x1] =	stream.indirect.gather [hbm4b:s3+s8], $0x80, s2, s8, $0xb8;
	[tilespmem:$0x4080] =	vst v63  }
0x11: {  	_ =	swait.ge [sflag:s9], $0x4000  }
0x12: {  	[sflag:s9] =	ssyncset.done $0x0  }
0x13: {  	[sflag:s9] =	ssyncadd.s32 $0xFFFFC000  }
0x14: {  	[hbm4b:s5+s2] =	stream.linear.scatter [tilespmem:s8], [sflag:$0x2], $0x4000, $0x38;
	[tilespmem:$0x4080] =	vst v63  }
0x15: {  	s12 =	simm.s32 $0x10;
	_ =	swait.ge [sflag:s7], $0x4000  }
0x16: {  	s13 =	simm.s32 $0x20;
	s11 =	sadd.s32 $0x800, s5;
	[sflag:s7] =	ssyncset.done $0x0  }
.LBB2_2:
0x17: {  	s14 =	sadd.s32 s12, s6  }
0x18: {  	[sflag:s7] =	ssyncadd.s32 $0xFFFFC000;
	s12 =	smov.u32 s13;
	s15 =	sadd.s32 $0x10, s13  }
0x19: {  	[tilespmem:s2], [sflag:$0x2] =	stream.linear.gather [hbm4b:s14+s2], $0x80, $0x38;
	[tilespmem:$0x4080] =	vst v63  }
0x1a: {  	p0 =	sne.s32 s13, $0xF0;
	_ =	swait.ge [sflag:s7], $0x80  }
0x1b: {  	[sflag:s7] =	ssyncset.done $0x0  }
0x1c: {  	[sflag:s7] =	ssyncadd.s32 $0xFFFFFF80  }
0x1d: {  	[tilespmem:s8], [sflag:$0x1] =	stream.indirect.gather [hbm4b:s3+s8], $0x80, s2, s8, $0xb8;
	[tilespmem:$0x4080] =	vst v63  }
0x1e: {  	_ =	swait.ge [sflag:s9], $0x4000  }
.Ltmp0:
0x1f: {  	[sflag:s9] =	ssyncset.done $0x0;
	(pc) =	sbr.rel @p0 .LBB2_2-.Ltmp0, $4  }
0x20: {  	[sflag:s9] =	ssyncadd.s32 $0xFFFFC000  }
0x21: {  	[hbm4b:s11+s2] =	stream.linear.scatter [tilespmem:s8], [sflag:$0x2], $0x4000, $0x38;
	[tilespmem:$0x4080] =	vst v63  }
0x22: {  	_ =	swait.ge [sflag:s7], $0x4000  }
0x23: {  	s13 =	smov.u32 s15;
	s11 =	sadd.s32 $0x800, s11;
	[sflag:s7] =	ssyncset.done $0x0  }
0x24: {  	s12 =	sadd.s32 s12, s6;
	[sflag:s7] =	ssyncadd.s32 $0xFFFFC000  }
0x25: {  	[tilespmem:s2], [sflag:$0x2] =	stream.linear.gather [hbm4b:s12+s2], $0x80, $0x38;
	[tilespmem:$0x4080] =	vst v63  }
0x26: {  	_ =	swait.ge [sflag:s7], $0x80  }
0x27: {  	[sflag:s7] =	ssyncset.done $0x0  }
0x28: {  	[sflag:s7] =	ssyncadd.s32 $0xFFFFFF80  }
0x29: {  	[tilespmem:s8], [sflag:$0x1] =	stream.indirect.gather [hbm4b:s3+s8], $0x80, s2, s8, $0xb8;
	[tilespmem:$0x4080] =	vst v63  }
0x2a: {  	s10 =	sadd.s32 $0x1, s10;
	_ =	swait.ge [sflag:s9], $0x4000  }
0x2b: {  	p0 =	sne.s32 s10, s4;
	[sflag:s9] =	ssyncset.done $0x0  }
.Ltmp1:
0x2c: {  	[sflag:s9] =	ssyncadd.s32 $0xFFFFC000;
	(pc) =	sbr.rel @p0 .LBB2_1-.Ltmp1, $4  }
0x2d: {  	[hbm4b:s11+s2] =	stream.linear.scatter [tilespmem:s8], [sflag:$0x2], $0x4000, $0x38;
	[tilespmem:$0x4080] =	vst v63  }
0x2e: {  	_ =	swait.ge [sflag:s7], $0x4000  }
0x2f: {  	[sflag:s7] =	ssyncset.done $0x0  }
0x30: {  	[sflag:s7] =	ssyncadd.s32 $0xFFFFC000  }
0x31: {  	_ =	sfence.sel $0x180000  }
0x32: {  	[bflag:$0x0] =	sbarrier.arrive $0xFFFF  }
0x33: {  	p0 =	sne.s32 s1, $0x0;
	_ =	strace $0x90000050  }
0x34: {  	s0 =	sadd.s32 @!p0 $0x100000, s0;
	[bflag:$0x2] =	sbarrier.arrive $0xFFFF  }
0x35: {  	[sflag:s0] =	ssyncadd.tile.s32 @!p0 $0x1;
	_ =	shalt  }
.Lfunc_end2:
_tile_overlayer_lowered:
.L_overlay_start_2:
0x36: {  	(tag) =	ssettag $0x2  }
0x37: {  	s0 =	rddreg [dreg:$0x0];
	s2 =	stileid.u32  }
0x38: {  	s1 =	rddreg [dreg:$0x1];
	p0 =	sne.s32 s2, $0x0  }
0x39: {  	s3 =	rddreg [dreg:$0x2];
	[bflag:$0x3] =	sbarrier.arrive $0xFFFF;
	s2 =	simm.s32 @!p0 $0x1C02  }
0x3a: {  	[timem:s3], [sflag:s2] =	dma.local @!p0 [hbm:s0], s1  }
0x3b: {  	s0 =	simm.s32 @!p0 $0x2  }
0x3c: {  	_ =	swait.ge @!p0 [sflag:s0], s1  }
0x3d: {  	s1 =	ssub.s32 @!p0 $0x0, s1;
	[sflag:s0] =	ssyncset.done @!p0 $0x0  }
0x3e: {  	[sflag:s0] =	ssyncadd.s32 @!p0 s1  }
0x3f: {  	[bflag:$0x3] =	sbarrier.arrive $0xFFFF  }
0x40: {  	_ =	shalt  }

// kernel: kernel.17.cloned.1.call-start
scs
__scs_entry_jumppad:
0x0: {  	(pc) =	sbr.rel $0x88, $3  }
0x1: {  	(tag) =	ssettag $0x0;
	lr =	simm.s32 $0x1  }
0x2: {  	[smem:$0x3F9A] =	sst lr;
	_ =	strace $0xD0000000  }
0x3: {  	_ = 	snop  }
0x4: {  	_ = 	snop  }
0x5: {  	_ = 	snop  }
0x6: {  	_ = 	snop  }
0x7: {  	_ = 	snop  }
__scs_overlays_trampoline_lowered:
0x8: {  	[smem:$0x3FA9] =	sst s0  }
0x9: {  	[smem:$0x3FAA] =	sst s1  }
0xa: {  	[smem:$0x3FAB] =	sst s2  }
0xb: {  	[smem:$0x3FAC] =	sst s3  }
0xc: {  	[smem:$0x3FAD] =	sst s4  }
0xd: {  	[smem:$0x3FAE] =	sst s5  }
0xe: {  	[smem:$0x3FAF] =	sst s6  }
0xf: {  	[smem:$0x3FB0] =	sst s7  }
0x10: {  	[smem:$0x3FB1] =	sst s8  }
0x11: {  	[smem:$0x3FB2] =	sst s9;
	s0 =	simm.s32 @!p0 $0x0  }
0x12: {  	s1 =	sld [smem:$0x3F98];
	s0 =	simm.s32 @p0 $0x1  }
0x13: {  	[smem:$0x3FB3] =	sst s0;
	s0 =	simm.s32 @!p1 $0x0  }
0x14: {  	s2 =	sld [smem:$0x3F97];
	s0 =	simm.s32 @p1 $0x1  }
0x15: {  	[smem:$0x3FB4] =	sst s0;
	s0 =	simm.s32 @!p2 $0x0  }
0x16: {  	s3 =	sld [smem:$0x3FDB];
	s0 =	simm.s32 @p2 $0x1  }
0x17: {  	s4 =	simm.s32 $0x1BF5;
	[smem:$0x3FB6] =	sst s0  }
0x18: {  	s0 =	sld [smem:$0x3F99];
	_ =	swait.ge [sflag:s4], $0x0  }
0x19: {  	s7 =	sld [smem:$0x3F9A]  }
0x1a: {  	s8 =	sadd.s32 $0xFFFFE003, lr  }
0x1b: {  	s9 =	sadd.s32 $0xFFFFFEF7, lr;
	s5 =	simm.s32 $0xFFFFFFFF;
	p2 =	slt.u32 s8, $0xFFFFF086  }
0x1c: {  	p1 =	slt.u32 s9, $0xF7A;
	s5 =	simm.s32 @!p2 $0x0  }
0x1d: {  	s5 =	simm.s32 @p1 $0x1;
	p0 =	seq.s32 s7, s2  }
0x1e: {  	s7 =	smul.u32 @!p0 $0xF7A, s2;
	p2 =	seq.s32 @!p0 s5, $0x0  }
0x1f: {  	s9 =	smul.u32 $0xF7A, s1;
	s8 =	simm.s32 @!p0 $0x1BF5;
	p2 =	por !p2, p0  }
0x20: {  	[sflag:s8] =	ssyncset.s32 @!p0 $0xFFFFF086;
	s6 =	sadd.s32 @!p0 s3, s7;
	s7 =	simm.s32 @!p0 $0x108  }
0x21: {  	s3 =	sadd.s32 s3, s9;
	s6 =	sadd.s32 @!p0 $0x88, s6;
	s7 =	simm.s32 @p2 $0x1082  }
0x22: {  	[simem:s7], [sflag:s8] =	dma.local @!p0 [hbm:s6], $0xF7A  }
0x23: {  	s9 =	sor.u32 $0xD0000000, s2;
	s6 =	simm.s32 $0x108;
	_ =	swait.ge @!p0 [sflag:s8], $0x0  }
0x24: {  	s3 =	sadd.s32 $0x88, s3;
	s6 =	simm.s32 @!p1 $0x1082;
	[sflag:s4] =	ssyncset.s32 $0xFFFFF086  }
0x25: {  	[simem:s6], [sflag:s4] =	dma.local [hbm:s3], $0xF7A  }
0x26: {  	[smem:$0x3F9A] =	sst s1;
	(tag) =	ssettag s2;
	_ =	strace s9  }
0x27: {  	s1 =	sld [smem:$0x3FAA]  }
0x28: {  	s2 =	sld [smem:$0x3FAB]  }
0x29: {  	s4 =	sld [smem:$0x3FAD]  }
0x2a: {  	p0 =	seq.s32 s5, $0x0;
	s5 =	sld [smem:$0x3FAE]  }
0x2b: {  	s6 =	sld [smem:$0x3FAF]  }
0x2c: {  	s7 =	sld [smem:$0x3FB0]  }
0x2d: {  	s3 =	simm.s32 $0x108;
	s8 =	sld [smem:$0x3FB1]  }
0x2e: {  	s3 =	simm.s32 @!p0 $0x1082;
	s9 =	sld [smem:$0x3FB2]  }
0x2f: {  	lr =	sadd.s32 s0, s3;
	s0 =	sld [smem:$0x3FA9]  }
0x30: {  	s3 =	sld [smem:$0x3FAC]  }
0x31: {  	[smem:$0x3FB5] =	sst s10  }
0x32: {  	s10 =	sld [smem:$0x3FB3];
	_ =	sdelay $0x3  }
0x33: {  	p0 =	seq.s32 s10, $0x1;
	s10 =	sld [smem:$0x3FB5];
	_ =	sdelay $0x3  }
0x34: {  	[smem:$0x3FB5] =	sst s10  }
0x35: {  	s10 =	sld [smem:$0x3FB4];
	_ =	sdelay $0x3  }
0x36: {  	p1 =	seq.s32 s10, $0x1;
	s10 =	sld [smem:$0x3FB5];
	_ =	sdelay $0x3  }
0x37: {  	[smem:$0x3FB5] =	sst s10  }
0x38: {  	s10 =	sld [smem:$0x3FB6]  }
0x39: {  	_ = 	snop;
	(pc) =	sbr.ind lr, $3  }
0x3a: {  	_ = 	snop  }
0x3b: {  	_ = 	snop  }
0x3c: {  	p2 =	seq.s32 s10, $0x1;
	s10 =	sld [smem:$0x3FB5]  }
0x3d: {  	_ =	shalt  }
0x3e: {  	_ =	shalt  }
0x3f: {  	_ =	shalt  }
0x40: {  	_ =	shalt  }
0x41: {  	_ =	shalt  }
0x42: {  	_ =	shalt  }
0x43: {  	_ =	shalt  }
0x44: {  	_ =	shalt  }
0x45: {  	_ =	shalt  }
0x46: {  	_ =	shalt  }
0x47: {  	_ =	shalt  }
0x48: {  	_ =	shalt  }
0x49: {  	_ =	shalt  }
0x4a: {  	_ =	shalt  }
0x4b: {  	_ =	shalt  }
0x4c: {  	_ =	shalt  }
0x4d: {  	_ =	shalt  }
0x4e: {  	_ =	shalt  }
0x4f: {  	_ =	shalt  }
0x50: {  	_ =	shalt  }
0x51: {  	_ =	shalt  }
0x52: {  	_ =	shalt  }
0x53: {  	_ =	shalt  }
0x54: {  	_ =	shalt  }
0x55: {  	_ =	shalt  }
0x56: {  	_ =	shalt  }
0x57: {  	_ =	shalt  }
0x58: {  	_ =	shalt  }
0x59: {  	_ =	shalt  }
0x5a: {  	_ =	shalt  }
0x5b: {  	_ =	shalt  }
0x5c: {  	_ =	shalt  }
0x5d: {  	_ =	shalt  }
0x5e: {  	_ =	shalt  }
0x5f: {  	_ =	shalt  }
0x60: {  	_ =	shalt  }
0x61: {  	_ =	shalt  }
0x62: {  	_ =	shalt  }
0x63: {  	_ =	shalt  }
0x64: {  	_ =	shalt  }
0x65: {  	_ =	shalt  }
0x66: {  	_ =	shalt  }
0x67: {  	_ =	shalt  }
0x68: {  	_ =	shalt  }
0x69: {  	_ =	shalt  }
0x6a: {  	_ =	shalt  }
0x6b: {  	_ =	shalt  }
0x6c: {  	_ =	shalt  }
0x6d: {  	_ =	shalt  }
0x6e: {  	_ =	shalt  }
0x6f: {  	_ =	shalt  }
0x70: {  	_ =	shalt  }
0x71: {  	_ =	shalt  }
0x72: {  	_ =	shalt  }
0x73: {  	_ =	shalt  }
0x74: {  	_ =	shalt  }
0x75: {  	_ =	shalt  }
0x76: {  	_ =	shalt  }
0x77: {  	_ =	shalt  }
0x78: {  	_ =	shalt  }
0x79: {  	_ =	shalt  }
0x7a: {  	_ =	shalt  }
0x7b: {  	_ =	shalt  }
0x7c: {  	_ =	shalt  }
0x7d: {  	_ =	shalt  }
0x7e: {  	_ =	shalt  }
0x7f: {  	_ =	shalt  }
0x80: {  	_ =	shalt  }
0x81: {  	_ =	shalt  }
0x82: {  	_ =	shalt  }
0x83: {  	_ =	shalt  }
0x84: {  	_ =	shalt  }
0x85: {  	_ =	shalt  }
0x86: {  	_ =	shalt  }
0x87: {  	_ =	shalt  }
.Lfunc_end0:
.L_simem_size_0:
called_computation.1_lowered:
.L_overlay_start_0:
0x88: {  	s2 =	sld [smem:$0x3FD9]  }
0x89: {  	s3 =	sld [smem:$0x3FFE];
	_ =	sdelay $0x1  }
0x8a: {  	s1 =	srdreg.scid  }
0x8b: {  	s0 =	sand.u32 $0x1, s1  }
0x8c: {  	s17 =	sshll.u32 s0, $0xA;
	s2 =	sadd.s32 s3, s2  }
0x8d: {  	s2 =	sadd.s32 s2, s17  }
0x8e: {  	[smem:$0x3FC1] =	sst s2  }
0x8f: {  	_ = 	snop  }
0x90: {  	(tm) =	ssettm $0x1  }
0x91: {  	s18 =	sld [smem:$0x3FFB];
	_ =	sdelay $0x3  }
0x92: {  	_ =	strace s18  }
0x93: {  	s2 =	sld [smem:$0x3FFC];
	_ =	sdelay $0x3  }
0x94: {  	_ =	strace s2  }
0x95: {  	s2 =	sld [smem:$0x3FFD];
	_ =	sdelay $0x3  }
0x96: {  	_ =	strace s2  }
0x97: {  	_ =	strace $0x8FFFFFFF  }
0x98: {  	s19 =	sld [smem:$0x3FDB];
	_ =	sdelay $0x1  }
0x99: {  	s20 =	simm.s32 $_scs_section_size  }
0x9a: {  	s4 =	simm.s32 $_size__tile_overlayer_lowered;
	s5 =	simm.s32 $_tile_overlayer_lowered  }
0x9b: {  	s6 =	simm.s32 $0x1BFF;
	s21 =	sshll.u32 s5, $0x1;
	s3 =	sadd.s32 s20, s19  }
0x9c: {  	s22 =	simm.s32 $0x0;
	s4 =	sshll.u32 s4, $0x1;
	s5 =	sadd.s32 s21, s3  }
0x9d: {  	[timem:s22], [sflag:s6] =	dma.local [hbm:s5], s4  }
0x9e: {  	_ =	swait.ge [sflag:s6], s4  }
0x9f: {  	s4 =	ssub.s32 $0x0, s4;
	[sflag:s6] =	ssyncset.done $0x0  }
0xa0: {  	[sflag:s6] =	ssyncadd.s32 s4;
	_ =	sdelay $0x1  }
0xa1: {  	s23 =	simm.s32 $0x1B8B  }
0xa2: {  	_ =	swait.ge [sflag:s23], $0x1  }
0xa3: {  	[sflag:s23] =	ssyncset.done $0x0  }
0xa4: {  	[sflag:s23] =	ssyncadd.s32 $0xFFFFFFFF  }
0xa5: {  	s4 =	sld [smem:$0x0]  }
0xa6: {  	s5 =	sand.u32 $0xFFFFFFFE, s1  }
0xa7: {  	p0 =	sne.s32 s1, s5  }
0xa8: {  	s5 =	sshll.u32 @p0 s5, $0xE  }
0xa9: {  	s5 =	sadd.s32 @p0 $0x11B8D, s5;
	s6 =	sshll.u32 @p0 s4, $0x11  }
0xaa: {  	s5 =	sor.u32 @p0 s6, s5  }
0xab: {  	[sflag:s5] =	ssyncadd.remote.s32 @p0 $0x1;
	_ =	sdelay $0x1  }
0xac: {  	s5 =	simm.s32 @p0 $0x1B8D  }
0xad: {  	_ =	swait.eq @p0 [sflag:s5], $0x1  }
0xae: {  	[sflag:s5] =	ssyncadd.s32 @p0 $0xFFFFFFFF  }
0xaf: {  	s6 =	sshll.u32 @!p0 s1, $0xE  }
0xb0: {  	s6 =	sor.u32 @!p0 $0x4000, s6;
	s5 =	simm.s32 @!p0 $0x1B8D  }
0xb1: {  	s4 =	sshll.u32 @!p0 s4, $0x11;
	s6 =	sadd.s32 @!p0 $0x11B8D, s6;
	_ =	swait.eq @!p0 [sflag:s5], $0x1  }
0xb2: {  	s4 =	sor.u32 @!p0 s4, s6;
	[sflag:s5] =	ssyncadd.s32 @!p0 $0xFFFFFFFF  }
0xb3: {  	s25 =	simm.s32 $0x1B8E;
	s24 =	sld [smem:$0x3FFE];
	[sflag:s4] =	ssyncadd.remote.s32 @!p0 $0x1  }
0xb4: {  	s26 =	simm.s32 $execute0_lowered;
	[smem:$0x3FD2] =	sst s25  }
0xb5: {  	s5 =	sshll.u32 s26, $0x1;
	_ =	strace $0x8000004C;
	[dreg:$0x1] =	wrdreg $0xFFFFFFFF  }
0xb6: {  	s28 =	simm.s32 $_size_execute0_lowered;
	s3 =	sadd.s32 s3, s5;
	[dreg:$0x0] =	wrdreg $0x0  }
0xb7: {  	s5 =	sshll.u32 s28, $0x1;
	[dreg:$0x2] =	wrdreg s3  }
0xb8: {  	[dreg:$0x3] =	wrdreg s5  }
0xb9: {  	[dreg:$0x4] =	wrdreg $0xC0  }
0xba: {  	_ =	task [dreg:s22], $0x5FFFF  }
0xbb: {  	[dreg:$0x1] =	wrdreg $0xFFFFFFFF  }
0xbc: {  	[dreg:$0x0] =	wrdreg $0x60  }
0xbd: {  	[dreg:$0x2] =	wrdreg s24  }
0xbe: {  	[dreg:$0x3] =	wrdreg $0xA  }
0xbf: {  	_ =	task.clear_ibuf [dreg:s22], $0x4FFFF;
	_ =	strace $0x9000004C  }
0xc0: {  	s29 =	simm.s32 $0xA;
	_ =	strace $0x8000004E  }
0xc1: {  	_ =	swait.ge [sflag:s29], $0x1  }
0xc2: {  	[sflag:s29] =	ssyncadd.s32 $0xFFFFFFFF  }
0xc3: {  	_ =	strace $0x9000004E  }
0xc4: {  	_ =	sfence  }
0xc5: {  	s30 =	sld [smem:$0x0];
	_ =	sdelay $0x2  }
0xc6: {  	s31 =	sshll.u32 s1, $0xD;
	s1 =	sshrl.u32 s1, $0x2  }
0xc7: {  	s4 =	sand.u32 $0x4000, s31;
	s1 =	sadd.s32 s1, s30  }
0xc8: {  	s0 =	sor.u32 s4, s0;
	s1 =	sshll.u32 s1, $0x11  }
0xc9: {  	s0 =	sor.u32 s1, s0  }
0xca: {  	s0 =	sadd.s32 $0x8F2B, s0  }
0xcb: {  	[sflag:s0] =	ssyncadd.remote.s32 $0x1  }
0xcc: {  	_ =	sfence.sel $0xFFFF  }
0xcd: {  	[dreg:$0x0] =	wrdreg $0xFFFFFFFF;
	(pc) =	sbr.abs _section_cstart, $3  }
0xce: {  	[dreg:$0x1] =	wrdreg $0xFFFFFFFF  }
0xcf: {  	_ =	task.clear_ibuf [dreg:s22], $0x2FFFF;
	_ =	strace $0x9FFFFFFF  }
0xd0: {  	(tm) =	ssettm $0x7FFFFFFF  }
0xd1: {  	_ =	shalt  }
tec
execute0_lowered:
.L_overlay_start_1:
0x0: {  	(tag) =	ssettag $0x1  }
0x1: {  	s4 =	rddreg [dreg:$0x0]  }
0x2: {  	s0 =	rddreg [dreg:$0x1];
	s2 =	simm.s32 $0x0;
	s3 =	srdreg.scid  }
0x3: {  	s1 =	stileid.u32;
	s10 =	simm.s32 $0x0;
	[smem:$0x7FF] =	sst s2  }
0x4: {  	s5 =	sand.u32 $0x1, s3;
	s6 =	sshll.u32 s1, $0xC;
	s3 =	sadd.s32 $0x227400, s4  }
0x5: {  	s8 =	sshll.u32 s1, $0x10;
	_ =	strace $0x8000004D;
	s7 =	sshll.u32 s5, $0xB  }
0x6: {  	s31 =	ssub.s32 $0x2, s5;
	s8 =	sadd.s32 s8, s4;
	s5 =	sshll.u32 s5, $0xF  }
0x7: {  	s6 =	sor.u32 s7, s6;
	s9 =	sshrl.u32 s31, $0x1;
	s5 =	sadd.s32 s5, s8  }
0x8: {  	s8 =	simm.s32 $0x80;
	s6 =	sshrl.u32 s6, $0x3;
	s7 =	ssub.s32 s31, s9  }
0x9: {  	s5 =	sadd.s32 $0x239400, s5;
	s9 =	simm.s32 $0x1;
	s6 =	sadd.s32 s6, s4  }
0xa: {  	s4 =	smax.u32 s7, $0x1;
	s7 =	simm.s32 $0x2;
	s6 =	sadd.s32 $0x237400, s6  }
.LBB2_1:
0xb: {  	s11 =	sadd.s32 $0x0, s6  }
0xc: {  	[tilespmem:s2], [sflag:$0x2] =	stream.linear.gather [hbm4b:s11+s2], $0x80, $0x38;
	[tilespmem:$0x4080] =	vst v63  }
0xd: {  	_ =	swait.ge [sflag:s7], $0x80  }
0xe: {  	[sflag:s7] =	ssyncset.done $0x0  }
0xf: {  	[sflag:s7] =	ssyncadd.s32 $0xFFFFFF80  }
0x10: {  	[tilespmem:s8], [sflag:$0x1] =	stream.indirect.gather [hbm4b:s3+s8], $0x80, s2, s8, $0xb8;
	[tilespmem:$0x4080] =	vst v63  }
0x11: {  	_ =	swait.ge [sflag:s9], $0x4000  }
0x12: {  	[sflag:s9] =	ssyncset.done $0x0  }
0x13: {  	[sflag:s9] =	ssyncadd.s32 $0xFFFFC000  }
0x14: {  	[hbm4b:s5+s2] =	stream.linear.scatter [tilespmem:s8], [sflag:$0x2], $0x4000, $0x38;
	[tilespmem:$0x4080] =	vst v63  }
0x15: {  	s12 =	simm.s32 $0x10;
	_ =	swait.ge [sflag:s7], $0x4000  }
0x16: {  	s13 =	simm.s32 $0x20;
	s11 =	sadd.s32 $0x800, s5;
	[sflag:s7] =	ssyncset.done $0x0  }
.LBB2_2:
0x17: {  	s14 =	sadd.s32 s12, s6  }
0x18: {  	[sflag:s7] =	ssyncadd.s32 $0xFFFFC000;
	s12 =	smov.u32 s13;
	s15 =	sadd.s32 $0x10, s13  }
0x19: {  	[tilespmem:s2], [sflag:$0x2] =	stream.linear.gather [hbm4b:s14+s2], $0x80, $0x38;
	[tilespmem:$0x4080] =	vst v63  }
0x1a: {  	p0 =	sne.s32 s13, $0xF0;
	_ =	swait.ge [sflag:s7], $0x80  }
0x1b: {  	[sflag:s7] =	ssyncset.done $0x0  }
0x1c: {  	[sflag:s7] =	ssyncadd.s32 $0xFFFFFF80  }
0x1d: {  	[tilespmem:s8], [sflag:$0x1] =	stream.indirect.gather [hbm4b:s3+s8], $0x80, s2, s8, $0xb8;
	[tilespmem:$0x4080] =	vst v63  }
0x1e: {  	_ =	swait.ge [sflag:s9], $0x4000  }
.Ltmp0:
0x1f: {  	[sflag:s9] =	ssyncset.done $0x0;
	(pc) =	sbr.rel @p0 .LBB2_2-.Ltmp0, $4  }
0x20: {  	[sflag:s9] =	ssyncadd.s32 $0xFFFFC000  }
0x21: {  	[hbm4b:s11+s2] =	stream.linear.scatter [tilespmem:s8], [sflag:$0x2], $0x4000, $0x38;
	[tilespmem:$0x4080] =	vst v63  }
0x22: {  	_ =	swait.ge [sflag:s7], $0x4000  }
0x23: {  	s13 =	smov.u32 s15;
	s11 =	sadd.s32 $0x800, s11;
	[sflag:s7] =	ssyncset.done $0x0  }
0x24: {  	s12 =	sadd.s32 s12, s6;
	[sflag:s7] =	ssyncadd.s32 $0xFFFFC000  }
0x25: {  	[tilespmem:s2], [sflag:$0x2] =	stream.linear.gather [hbm4b:s12+s2], $0x80, $0x38;
	[tilespmem:$0x4080] =	vst v63  }
0x26: {  	_ =	swait.ge [sflag:s7], $0x80  }
0x27: {  	[sflag:s7] =	ssyncset.done $0x0  }
0x28: {  	[sflag:s7] =	ssyncadd.s32 $0xFFFFFF80  }
0x29: {  	[tilespmem:s8], [sflag:$0x1] =	stream.indirect.gather [hbm4b:s3+s8], $0x80, s2, s8, $0xb8;
	[tilespmem:$0x4080] =	vst v63  }
0x2a: {  	s10 =	sadd.s32 $0x1, s10;
	_ =	swait.ge [sflag:s9], $0x4000  }
0x2b: {  	p0 =	sne.s32 s10, s4;
	[sflag:s9] =	ssyncset.done $0x0  }
.Ltmp1:
0x2c: {  	[sflag:s9] =	ssyncadd.s32 $0xFFFFC000;
	(pc) =	sbr.rel @p0 .LBB2_1-.Ltmp1, $4  }
0x2d: {  	[hbm4b:s11+s2] =	stream.linear.scatter [tilespmem:s8], [sflag:$0x2], $0x4000, $0x38;
	[tilespmem:$0x4080] =	vst v63  }
0x2e: {  	_ =	swait.ge [sflag:s7], $0x4000  }
0x2f: {  	[sflag:s7] =	ssyncset.done $0x0  }
0x30: {  	[sflag:s7] =	ssyncadd.s32 $0xFFFFC000  }
0x31: {  	_ =	sfence.sel $0x180000  }
0x32: {  	[bflag:$0x0] =	sbarrier.arrive $0xFFFF  }
0x33: {  	p0 =	sne.s32 s1, $0x0;
	_ =	strace $0x9000004D  }
0x34: {  	s0 =	sadd.s32 @!p0 $0x100000, s0;
	[bflag:$0x2] =	sbarrier.arrive $0xFFFF  }
0x35: {  	[sflag:s0] =	ssyncadd.tile.s32 @!p0 $0x1;
	_ =	shalt  }
.Lfunc_end2:
_tile_overlayer_lowered:
.L_overlay_start_2:
0x36: {  	(tag) =	ssettag $0x2  }
0x37: {  	s0 =	rddreg [dreg:$0x0];
	s2 =	stileid.u32  }
0x38: {  	s1 =	rddreg [dreg:$0x1];
	p0 =	sne.s32 s2, $0x0  }
0x39: {  	s3 =	rddreg [dreg:$0x2];
	[bflag:$0x3] =	sbarrier.arrive $0xFFFF;
	s2 =	simm.s32 @!p0 $0x1C02  }
0x3a: {  	[timem:s3], [sflag:s2] =	dma.local @!p0 [hbm:s0], s1  }
0x3b: {  	s0 =	simm.s32 @!p0 $0x2  }
0x3c: {  	_ =	swait.ge @!p0 [sflag:s0], s1  }
0x3d: {  	s1 =	ssub.s32 @!p0 $0x0, s1;
	[sflag:s0] =	ssyncset.done @!p0 $0x0  }
0x3e: {  	[sflag:s0] =	ssyncadd.s32 @!p0 s1  }
0x3f: {  	[bflag:$0x3] =	sbarrier.arrive $0xFFFF  }
0x40: {  	_ =	shalt  }

// kernel: kernel.20.cloned.1.call-start
scs
__scs_entry_jumppad:
0x0: {  	(pc) =	sbr.rel $0x88, $3  }
0x1: {  	(tag) =	ssettag $0x0;
	lr =	simm.s32 $0x1  }
0x2: {  	[smem:$0x3F9A] =	sst lr;
	_ =	strace $0xD0000000  }
0x3: {  	_ = 	snop  }
0x4: {  	_ = 	snop  }
0x5: {  	_ = 	snop  }
0x6: {  	_ = 	snop  }
0x7: {  	_ = 	snop  }
__scs_overlays_trampoline_lowered:
0x8: {  	[smem:$0x3FA9] =	sst s0  }
0x9: {  	[smem:$0x3FAA] =	sst s1  }
0xa: {  	[smem:$0x3FAB] =	sst s2  }
0xb: {  	[smem:$0x3FAC] =	sst s3  }
0xc: {  	[smem:$0x3FAD] =	sst s4  }
0xd: {  	[smem:$0x3FAE] =	sst s5  }
0xe: {  	[smem:$0x3FAF] =	sst s6  }
0xf: {  	[smem:$0x3FB0] =	sst s7  }
0x10: {  	[smem:$0x3FB1] =	sst s8  }
0x11: {  	[smem:$0x3FB2] =	sst s9;
	s0 =	simm.s32 @!p0 $0x0  }
0x12: {  	s1 =	sld [smem:$0x3F98];
	s0 =	simm.s32 @p0 $0x1  }
0x13: {  	[smem:$0x3FB3] =	sst s0;
	s0 =	simm.s32 @!p1 $0x0  }
0x14: {  	s2 =	sld [smem:$0x3F97];
	s0 =	simm.s32 @p1 $0x1  }
0x15: {  	[smem:$0x3FB4] =	sst s0;
	s0 =	simm.s32 @!p2 $0x0  }
0x16: {  	s3 =	sld [smem:$0x3FDB];
	s0 =	simm.s32 @p2 $0x1  }
0x17: {  	s4 =	simm.s32 $0x1BF5;
	[smem:$0x3FB6] =	sst s0  }
0x18: {  	s0 =	sld [smem:$0x3F99];
	_ =	swait.ge [sflag:s4], $0x0  }
0x19: {  	s7 =	sld [smem:$0x3F9A]  }
0x1a: {  	s8 =	sadd.s32 $0xFFFFE003, lr  }
0x1b: {  	s9 =	sadd.s32 $0xFFFFFEF7, lr;
	s5 =	simm.s32 $0xFFFFFFFF;
	p2 =	slt.u32 s8, $0xFFFFF086  }
0x1c: {  	p1 =	slt.u32 s9, $0xF7A;
	s5 =	simm.s32 @!p2 $0x0  }
0x1d: {  	s5 =	simm.s32 @p1 $0x1;
	p0 =	seq.s32 s7, s2  }
0x1e: {  	s7 =	smul.u32 @!p0 $0xF7A, s2;
	p2 =	seq.s32 @!p0 s5, $0x0  }
0x1f: {  	s9 =	smul.u32 $0xF7A, s1;
	s8 =	simm.s32 @!p0 $0x1BF5;
	p2 =	por !p2, p0  }
0x20: {  	[sflag:s8] =	ssyncset.s32 @!p0 $0xFFFFF086;
	s6 =	sadd.s32 @!p0 s3, s7;
	s7 =	simm.s32 @!p0 $0x108  }
0x21: {  	s3 =	sadd.s32 s3, s9;
	s6 =	sadd.s32 @!p0 $0x88, s6;
	s7 =	simm.s32 @p2 $0x1082  }
0x22: {  	[simem:s7], [sflag:s8] =	dma.local @!p0 [hbm:s6], $0xF7A  }
0x23: {  	s9 =	sor.u32 $0xD0000000, s2;
	s6 =	simm.s32 $0x108;
	_ =	swait.ge @!p0 [sflag:s8], $0x0  }
0x24: {  	s3 =	sadd.s32 $0x88, s3;
	s6 =	simm.s32 @!p1 $0x1082;
	[sflag:s4] =	ssyncset.s32 $0xFFFFF086  }
0x25: {  	[simem:s6], [sflag:s4] =	dma.local [hbm:s3], $0xF7A  }
0x26: {  	[smem:$0x3F9A] =	sst s1;
	(tag) =	ssettag s2;
	_ =	strace s9  }
0x27: {  	s1 =	sld [smem:$0x3FAA]  }
0x28: {  	s2 =	sld [smem:$0x3FAB]  }
0x29: {  	s4 =	sld [smem:$0x3FAD]  }
0x2a: {  	p0 =	seq.s32 s5, $0x0;
	s5 =	sld [smem:$0x3FAE]  }
0x2b: {  	s6 =	sld [smem:$0x3FAF]  }
0x2c: {  	s7 =	sld [smem:$0x3FB0]  }
0x2d: {  	s3 =	simm.s32 $0x108;
	s8 =	sld [smem:$0x3FB1]  }
0x2e: {  	s3 =	simm.s32 @!p0 $0x1082;
	s9 =	sld [smem:$0x3FB2]  }
0x2f: {  	lr =	sadd.s32 s0, s3;
	s0 =	sld [smem:$0x3FA9]  }
0x30: {  	s3 =	sld [smem:$0x3FAC]  }
0x31: {  	[smem:$0x3FB5] =	sst s10  }
0x32: {  	s10 =	sld [smem:$0x3FB3];
	_ =	sdelay $0x3  }
0x33: {  	p0 =	seq.s32 s10, $0x1;
	s10 =	sld [smem:$0x3FB5];
	_ =	sdelay $0x3  }
0x34: {  	[smem:$0x3FB5] =	sst s10  }
0x35: {  	s10 =	sld [smem:$0x3FB4];
	_ =	sdelay $0x3  }
0x36: {  	p1 =	seq.s32 s10, $0x1;
	s10 =	sld [smem:$0x3FB5];
	_ =	sdelay $0x3  }
0x37: {  	[smem:$0x3FB5] =	sst s10  }
0x38: {  	s10 =	sld [smem:$0x3FB6]  }
0x39: {  	_ = 	snop;
	(pc) =	sbr.ind lr, $3  }
0x3a: {  	_ = 	snop  }
0x3b: {  	_ = 	snop  }
0x3c: {  	p2 =	seq.s32 s10, $0x1;
	s10 =	sld [smem:$0x3FB5]  }
0x3d: {  	_ =	shalt  }
0x3e: {  	_ =	shalt  }
0x3f: {  	_ =	shalt  }
0x40: {  	_ =	shalt  }
0x41: {  	_ =	shalt  }
0x42: {  	_ =	shalt  }
0x43: {  	_ =	shalt  }
0x44: {  	_ =	shalt  }
0x45: {  	_ =	shalt  }
0x46: {  	_ =	shalt  }
0x47: {  	_ =	shalt  }
0x48: {  	_ =	shalt  }
0x49: {  	_ =	shalt  }
0x4a: {  	_ =	shalt  }
0x4b: {  	_ =	shalt  }
0x4c: {  	_ =	shalt  }
0x4d: {  	_ =	shalt  }
0x4e: {  	_ =	shalt  }
0x4f: {  	_ =	shalt  }
0x50: {  	_ =	shalt  }
0x51: {  	_ =	shalt  }
0x52: {  	_ =	shalt  }
0x53: {  	_ =	shalt  }
0x54: {  	_ =	shalt  }
0x55: {  	_ =	shalt  }
0x56: {  	_ =	shalt  }
0x57: {  	_ =	shalt  }
0x58: {  	_ =	shalt  }
0x59: {  	_ =	shalt  }
0x5a: {  	_ =	shalt  }
0x5b: {  	_ =	shalt  }
0x5c: {  	_ =	shalt  }
0x5d: {  	_ =	shalt  }
0x5e: {  	_ =	shalt  }
0x5f: {  	_ =	shalt  }
0x60: {  	_ =	shalt  }
0x61: {  	_ =	shalt  }
0x62: {  	_ =	shalt  }
0x63: {  	_ =	shalt  }
0x64: {  	_ =	shalt  }
0x65: {  	_ =	shalt  }
0x66: {  	_ =	shalt  }
0x67: {  	_ =	shalt  }
0x68: {  	_ =	shalt  }
0x69: {  	_ =	shalt  }
0x6a: {  	_ =	shalt  }
0x6b: {  	_ =	shalt  }
0x6c: {  	_ =	shalt  }
0x6d: {  	_ =	shalt  }
0x6e: {  	_ =	shalt  }
0x6f: {  	_ =	shalt  }
0x70: {  	_ =	shalt  }
0x71: {  	_ =	shalt  }
0x72: {  	_ =	shalt  }
0x73: {  	_ =	shalt  }
0x74: {  	_ =	shalt  }
0x75: {  	_ =	shalt  }
0x76: {  	_ =	shalt  }
0x77: {  	_ =	shalt  }
0x78: {  	_ =	shalt  }
0x79: {  	_ =	shalt  }
0x7a: {  	_ =	shalt  }
0x7b: {  	_ =	shalt  }
0x7c: {  	_ =	shalt  }
0x7d: {  	_ =	shalt  }
0x7e: {  	_ =	shalt  }
0x7f: {  	_ =	shalt  }
0x80: {  	_ =	shalt  }
0x81: {  	_ =	shalt  }
0x82: {  	_ =	shalt  }
0x83: {  	_ =	shalt  }
0x84: {  	_ =	shalt  }
0x85: {  	_ =	shalt  }
0x86: {  	_ =	shalt  }
0x87: {  	_ =	shalt  }
.Lfunc_end0:
.L_simem_size_0:
called_computation.2_lowered:
.L_overlay_start_0:
0x88: {  	s2 =	sld [smem:$0x3FD9]  }
0x89: {  	s3 =	sld [smem:$0x3FFE];
	_ =	sdelay $0x1  }
0x8a: {  	s1 =	srdreg.scid  }
0x8b: {  	s0 =	sand.u32 $0x1, s1  }
0x8c: {  	s17 =	sshll.u32 s0, $0xA;
	s2 =	sadd.s32 s3, s2  }
0x8d: {  	s2 =	sadd.s32 s2, s17  }
0x8e: {  	[smem:$0x3FC1] =	sst s2  }
0x8f: {  	_ = 	snop  }
0x90: {  	(tm) =	ssettm $0x1  }
0x91: {  	s18 =	sld [smem:$0x3FFB];
	_ =	sdelay $0x3  }
0x92: {  	_ =	strace s18  }
0x93: {  	s2 =	sld [smem:$0x3FFC];
	_ =	sdelay $0x3  }
0x94: {  	_ =	strace s2  }
0x95: {  	s2 =	sld [smem:$0x3FFD];
	_ =	sdelay $0x3  }
0x96: {  	_ =	strace s2  }
0x97: {  	_ =	strace $0x8FFFFFFF  }
0x98: {  	s19 =	sld [smem:$0x3FDB];
	_ =	sdelay $0x1  }
0x99: {  	s20 =	simm.s32 $_scs_section_size  }
0x9a: {  	s4 =	simm.s32 $_size__tile_overlayer_lowered;
	s5 =	simm.s32 $_tile_overlayer_lowered  }
0x9b: {  	s6 =	simm.s32 $0x1BFF;
	s21 =	sshll.u32 s5, $0x1;
	s3 =	sadd.s32 s20, s19  }
0x9c: {  	s22 =	simm.s32 $0x0;
	s4 =	sshll.u32 s4, $0x1;
	s5 =	sadd.s32 s21, s3  }
0x9d: {  	[timem:s22], [sflag:s6] =	dma.local [hbm:s5], s4  }
0x9e: {  	_ =	swait.ge [sflag:s6], s4  }
0x9f: {  	s4 =	ssub.s32 $0x0, s4;
	[sflag:s6] =	ssyncset.done $0x0  }
0xa0: {  	[sflag:s6] =	ssyncadd.s32 s4;
	_ =	sdelay $0x1  }
0xa1: {  	s23 =	simm.s32 $0x1B8B  }
0xa2: {  	_ =	swait.ge [sflag:s23], $0x1  }
0xa3: {  	[sflag:s23] =	ssyncset.done $0x0  }
0xa4: {  	[sflag:s23] =	ssyncadd.s32 $0xFFFFFFFF  }
0xa5: {  	s4 =	sld [smem:$0x0]  }
0xa6: {  	s5 =	sand.u32 $0xFFFFFFFE, s1  }
0xa7: {  	p0 =	sne.s32 s1, s5  }
0xa8: {  	s5 =	sshll.u32 @p0 s5, $0xE  }
0xa9: {  	s5 =	sadd.s32 @p0 $0x11B8D, s5;
	s6 =	sshll.u32 @p0 s4, $0x11  }
0xaa: {  	s5 =	sor.u32 @p0 s6, s5  }
0xab: {  	[sflag:s5] =	ssyncadd.remote.s32 @p0 $0x1;
	_ =	sdelay $0x1  }
0xac: {  	s5 =	simm.s32 @p0 $0x1B8D  }
0xad: {  	_ =	swait.eq @p0 [sflag:s5], $0x1  }
0xae: {  	[sflag:s5] =	ssyncadd.s32 @p0 $0xFFFFFFFF  }
0xaf: {  	s6 =	sshll.u32 @!p0 s1, $0xE  }
0xb0: {  	s6 =	sor.u32 @!p0 $0x4000, s6;
	s5 =	simm.s32 @!p0 $0x1B8D  }
0xb1: {  	s4 =	sshll.u32 @!p0 s4, $0x11;
	s6 =	sadd.s32 @!p0 $0x11B8D, s6;
	_ =	swait.eq @!p0 [sflag:s5], $0x1  }
0xb2: {  	s4 =	sor.u32 @!p0 s4, s6;
	[sflag:s5] =	ssyncadd.s32 @!p0 $0xFFFFFFFF  }
0xb3: {  	s25 =	simm.s32 $0x1B8E;
	s24 =	sld [smem:$0x3FFE];
	[sflag:s4] =	ssyncadd.remote.s32 @!p0 $0x1  }
0xb4: {  	s26 =	simm.s32 $execute0_lowered;
	[smem:$0x3FD2] =	sst s25  }
0xb5: {  	s5 =	sshll.u32 s26, $0x1;
	_ =	strace $0x80000049;
	[dreg:$0x1] =	wrdreg $0xFFFFFFFF  }
0xb6: {  	s28 =	simm.s32 $_size_execute0_lowered;
	s3 =	sadd.s32 s3, s5;
	[dreg:$0x0] =	wrdreg $0x0  }
0xb7: {  	s5 =	sshll.u32 s28, $0x1;
	[dreg:$0x2] =	wrdreg s3  }
0xb8: {  	[dreg:$0x3] =	wrdreg s5  }
0xb9: {  	[dreg:$0x4] =	wrdreg $0xC0  }
0xba: {  	_ =	task [dreg:s22], $0x5FFFF  }
0xbb: {  	[dreg:$0x1] =	wrdreg $0xFFFFFFFF  }
0xbc: {  	[dreg:$0x0] =	wrdreg $0x60  }
0xbd: {  	[dreg:$0x2] =	wrdreg s24  }
0xbe: {  	[dreg:$0x3] =	wrdreg $0xB  }
0xbf: {  	_ =	task.clear_ibuf [dreg:s22], $0x4FFFF;
	_ =	strace $0x90000049  }
0xc0: {  	s29 =	simm.s32 $0xB;
	_ =	strace $0x8000004B  }
0xc1: {  	_ =	swait.ge [sflag:s29], $0x1  }
0xc2: {  	[sflag:s29] =	ssyncadd.s32 $0xFFFFFFFF  }
0xc3: {  	_ =	strace $0x9000004B  }
0xc4: {  	_ =	sfence  }
0xc5: {  	s30 =	sld [smem:$0x0];
	_ =	sdelay $0x2  }
0xc6: {  	s31 =	sshll.u32 s1, $0xD;
	s1 =	sshrl.u32 s1, $0x2  }
0xc7: {  	s4 =	sand.u32 $0x4000, s31;
	s1 =	sadd.s32 s1, s30  }
0xc8: {  	s0 =	sor.u32 s4, s0;
	s1 =	sshll.u32 s1, $0x11  }
0xc9: {  	s0 =	sor.u32 s1, s0  }
0xca: {  	s0 =	sadd.s32 $0x8F2B, s0  }
0xcb: {  	[sflag:s0] =	ssyncadd.remote.s32 $0x1  }
0xcc: {  	_ =	sfence.sel $0xFFFF  }
0xcd: {  	[dreg:$0x0] =	wrdreg $0xFFFFFFFF;
	(pc) =	sbr.abs _section_cstart, $3  }
0xce: {  	[dreg:$0x1] =	wrdreg $0xFFFFFFFF  }
0xcf: {  	_ =	task.clear_ibuf [dreg:s22], $0x2FFFF;
	_ =	strace $0x9FFFFFFF  }
0xd0: {  	(tm) =	ssettm $0x7FFFFFFF  }
0xd1: {  	_ =	shalt  }
tec
execute0_lowered:
.L_overlay_start_1:
0x0: {  	(tag) =	ssettag $0x1  }
0x1: {  	s4 =	rddreg [dreg:$0x0]  }
0x2: {  	s0 =	rddreg [dreg:$0x1];
	s2 =	simm.s32 $0x0;
	s3 =	srdreg.scid  }
0x3: {  	s1 =	stileid.u32;
	s10 =	simm.s32 $0x0;
	[smem:$0x7FF] =	sst s2  }
0x4: {  	s5 =	sand.u32 $0x1, s3;
	s6 =	sshll.u32 s1, $0xC;
	s3 =	sadd.s32 $0x115400, s4  }
0x5: {  	s8 =	sshll.u32 s1, $0x10;
	_ =	strace $0x8000004A;
	s7 =	sshll.u32 s5, $0xB  }
0x6: {  	s31 =	ssub.s32 $0x2, s5;
	s8 =	sadd.s32 s8, s4;
	s5 =	sshll.u32 s5, $0xF  }
0x7: {  	s6 =	sor.u32 s7, s6;
	s9 =	sshrl.u32 s31, $0x1;
	s5 =	sadd.s32 s5, s8  }
0x8: {  	s8 =	simm.s32 $0x80;
	s6 =	sshrl.u32 s6, $0x3;
	s7 =	ssub.s32 s31, s9  }
0x9: {  	s5 =	sadd.s32 $0x127400, s5;
	s9 =	simm.s32 $0x1;
	s6 =	sadd.s32 s6, s4  }
0xa: {  	s4 =	smax.u32 s7, $0x1;
	s7 =	simm.s32 $0x2;
	s6 =	sadd.s32 $0x125400, s6  }
.LBB2_1:
0xb: {  	s11 =	sadd.s32 $0x0, s6  }
0xc: {  	[tilespmem:s2], [sflag:$0x2] =	stream.linear.gather [hbm4b:s11+s2], $0x80, $0x38;
	[tilespmem:$0x4080] =	vst v63  }
0xd: {  	_ =	swait.ge [sflag:s7], $0x80  }
0xe: {  	[sflag:s7] =	ssyncset.done $0x0  }
0xf: {  	[sflag:s7] =	ssyncadd.s32 $0xFFFFFF80  }
0x10: {  	[tilespmem:s8], [sflag:$0x1] =	stream.indirect.gather [hbm4b:s3+s8], $0x80, s2, s8, $0xb8;
	[tilespmem:$0x4080] =	vst v63  }
0x11: {  	_ =	swait.ge [sflag:s9], $0x4000  }
0x12: {  	[sflag:s9] =	ssyncset.done $0x0  }
0x13: {  	[sflag:s9] =	ssyncadd.s32 $0xFFFFC000  }
0x14: {  	[hbm4b:s5+s2] =	stream.linear.scatter [tilespmem:s8], [sflag:$0x2], $0x4000, $0x38;
	[tilespmem:$0x4080] =	vst v63  }
0x15: {  	s12 =	simm.s32 $0x10;
	_ =	swait.ge [sflag:s7], $0x4000  }
0x16: {  	s13 =	simm.s32 $0x20;
	s11 =	sadd.s32 $0x800, s5;
	[sflag:s7] =	ssyncset.done $0x0  }
.LBB2_2:
0x17: {  	s14 =	sadd.s32 s12, s6  }
0x18: {  	[sflag:s7] =	ssyncadd.s32 $0xFFFFC000;
	s12 =	smov.u32 s13;
	s15 =	sadd.s32 $0x10, s13  }
0x19: {  	[tilespmem:s2], [sflag:$0x2] =	stream.linear.gather [hbm4b:s14+s2], $0x80, $0x38;
	[tilespmem:$0x4080] =	vst v63  }
0x1a: {  	p0 =	sne.s32 s13, $0xF0;
	_ =	swait.ge [sflag:s7], $0x80  }
0x1b: {  	[sflag:s7] =	ssyncset.done $0x0  }
0x1c: {  	[sflag:s7] =	ssyncadd.s32 $0xFFFFFF80  }
0x1d: {  	[tilespmem:s8], [sflag:$0x1] =	stream.indirect.gather [hbm4b:s3+s8], $0x80, s2, s8, $0xb8;
	[tilespmem:$0x4080] =	vst v63  }
0x1e: {  	_ =	swait.ge [sflag:s9], $0x4000  }
.Ltmp0:
0x1f: {  	[sflag:s9] =	ssyncset.done $0x0;
	(pc) =	sbr.rel @p0 .LBB2_2-.Ltmp0, $4  }
0x20: {  	[sflag:s9] =	ssyncadd.s32 $0xFFFFC000  }
0x21: {  	[hbm4b:s11+s2] =	stream.linear.scatter [tilespmem:s8], [sflag:$0x2], $0x4000, $0x38;
	[tilespmem:$0x4080] =	vst v63  }
0x22: {  	_ =	swait.ge [sflag:s7], $0x4000  }
0x23: {  	s13 =	smov.u32 s15;
	s11 =	sadd.s32 $0x800, s11;
	[sflag:s7] =	ssyncset.done $0x0  }
0x24: {  	s12 =	sadd.s32 s12, s6;
	[sflag:s7] =	ssyncadd.s32 $0xFFFFC000  }
0x25: {  	[tilespmem:s2], [sflag:$0x2] =	stream.linear.gather [hbm4b:s12+s2], $0x80, $0x38;
	[tilespmem:$0x4080] =	vst v63  }
0x26: {  	_ =	swait.ge [sflag:s7], $0x80  }
0x27: {  	[sflag:s7] =	ssyncset.done $0x0  }
0x28: {  	[sflag:s7] =	ssyncadd.s32 $0xFFFFFF80  }
0x29: {  	[tilespmem:s8], [sflag:$0x1] =	stream.indirect.gather [hbm4b:s3+s8], $0x80, s2, s8, $0xb8;
	[tilespmem:$0x4080] =	vst v63  }
0x2a: {  	s10 =	sadd.s32 $0x1, s10;
	_ =	swait.ge [sflag:s9], $0x4000  }
0x2b: {  	p0 =	sne.s32 s10, s4;
	[sflag:s9] =	ssyncset.done $0x0  }
.Ltmp1:
0x2c: {  	[sflag:s9] =	ssyncadd.s32 $0xFFFFC000;
	(pc) =	sbr.rel @p0 .LBB2_1-.Ltmp1, $4  }
0x2d: {  	[hbm4b:s11+s2] =	stream.linear.scatter [tilespmem:s8], [sflag:$0x2], $0x4000, $0x38;
	[tilespmem:$0x4080] =	vst v63  }
0x2e: {  	_ =	swait.ge [sflag:s7], $0x4000  }
0x2f: {  	[sflag:s7] =	ssyncset.done $0x0  }
0x30: {  	[sflag:s7] =	ssyncadd.s32 $0xFFFFC000  }
0x31: {  	_ =	sfence.sel $0x180000  }
0x32: {  	[bflag:$0x0] =	sbarrier.arrive $0xFFFF  }
0x33: {  	p0 =	sne.s32 s1, $0x0;
	_ =	strace $0x9000004A  }
0x34: {  	s0 =	sadd.s32 @!p0 $0x100000, s0;
	[bflag:$0x2] =	sbarrier.arrive $0xFFFF  }
0x35: {  	[sflag:s0] =	ssyncadd.tile.s32 @!p0 $0x1;
	_ =	shalt  }
.Lfunc_end2:
_tile_overlayer_lowered:
.L_overlay_start_2:
0x36: {  	(tag) =	ssettag $0x2  }
0x37: {  	s0 =	rddreg [dreg:$0x0];
	s2 =	stileid.u32  }
0x38: {  	s1 =	rddreg [dreg:$0x1];
	p0 =	sne.s32 s2, $0x0  }
0x39: {  	s3 =	rddreg [dreg:$0x2];
	[bflag:$0x3] =	sbarrier.arrive $0xFFFF;
	s2 =	simm.s32 @!p0 $0x1C02  }
0x3a: {  	[timem:s3], [sflag:s2] =	dma.local @!p0 [hbm:s0], s1  }
0x3b: {  	s0 =	simm.s32 @!p0 $0x2  }
0x3c: {  	_ =	swait.ge @!p0 [sflag:s0], s1  }
0x3d: {  	s1 =	ssub.s32 @!p0 $0x0, s1;
	[sflag:s0] =	ssyncset.done @!p0 $0x0  }
0x3e: {  	[sflag:s0] =	ssyncadd.s32 @!p0 s1  }
0x3f: {  	[bflag:$0x3] =	sbarrier.arrive $0xFFFF  }
0x40: {  	_ =	shalt  }

// kernel: kernel.23.cloned.1.call-start
scs
__scs_entry_jumppad:
0x0: {  	(pc) =	sbr.rel $0x88, $3  }
0x1: {  	(tag) =	ssettag $0x0;
	lr =	simm.s32 $0x1  }
0x2: {  	[smem:$0x3F9A] =	sst lr;
	_ =	strace $0xD0000000  }
0x3: {  	_ = 	snop  }
0x4: {  	_ = 	snop  }
0x5: {  	_ = 	snop  }
0x6: {  	_ = 	snop  }
0x7: {  	_ = 	snop  }
__scs_overlays_trampoline_lowered:
0x8: {  	[smem:$0x3FA9] =	sst s0  }
0x9: {  	[smem:$0x3FAA] =	sst s1  }
0xa: {  	[smem:$0x3FAB] =	sst s2  }
0xb: {  	[smem:$0x3FAC] =	sst s3  }
0xc: {  	[smem:$0x3FAD] =	sst s4  }
0xd: {  	[smem:$0x3FAE] =	sst s5  }
0xe: {  	[smem:$0x3FAF] =	sst s6  }
0xf: {  	[smem:$0x3FB0] =	sst s7  }
0x10: {  	[smem:$0x3FB1] =	sst s8  }
0x11: {  	[smem:$0x3FB2] =	sst s9;
	s0 =	simm.s32 @!p0 $0x0  }
0x12: {  	s1 =	sld [smem:$0x3F98];
	s0 =	simm.s32 @p0 $0x1  }
0x13: {  	[smem:$0x3FB3] =	sst s0;
	s0 =	simm.s32 @!p1 $0x0  }
0x14: {  	s2 =	sld [smem:$0x3F97];
	s0 =	simm.s32 @p1 $0x1  }
0x15: {  	[smem:$0x3FB4] =	sst s0;
	s0 =	simm.s32 @!p2 $0x0  }
0x16: {  	s3 =	sld [smem:$0x3FDB];
	s0 =	simm.s32 @p2 $0x1  }
0x17: {  	s4 =	simm.s32 $0x1BF5;
	[smem:$0x3FB6] =	sst s0  }
0x18: {  	s0 =	sld [smem:$0x3F99];
	_ =	swait.ge [sflag:s4], $0x0  }
0x19: {  	s7 =	sld [smem:$0x3F9A]  }
0x1a: {  	s8 =	sadd.s32 $0xFFFFE003, lr  }
0x1b: {  	s9 =	sadd.s32 $0xFFFFFEF7, lr;
	s5 =	simm.s32 $0xFFFFFFFF;
	p2 =	slt.u32 s8, $0xFFFFF086  }
0x1c: {  	p1 =	slt.u32 s9, $0xF7A;
	s5 =	simm.s32 @!p2 $0x0  }
0x1d: {  	s5 =	simm.s32 @p1 $0x1;
	p0 =	seq.s32 s7, s2  }
0x1e: {  	s7 =	smul.u32 @!p0 $0xF7A, s2;
	p2 =	seq.s32 @!p0 s5, $0x0  }
0x1f: {  	s9 =	smul.u32 $0xF7A, s1;
	s8 =	simm.s32 @!p0 $0x1BF5;
	p2 =	por !p2, p0  }
0x20: {  	[sflag:s8] =	ssyncset.s32 @!p0 $0xFFFFF086;
	s6 =	sadd.s32 @!p0 s3, s7;
	s7 =	simm.s32 @!p0 $0x108  }
0x21: {  	s3 =	sadd.s32 s3, s9;
	s6 =	sadd.s32 @!p0 $0x88, s6;
	s7 =	simm.s32 @p2 $0x1082  }
0x22: {  	[simem:s7], [sflag:s8] =	dma.local @!p0 [hbm:s6], $0xF7A  }
0x23: {  	s9 =	sor.u32 $0xD0000000, s2;
	s6 =	simm.s32 $0x108;
	_ =	swait.ge @!p0 [sflag:s8], $0x0  }
0x24: {  	s3 =	sadd.s32 $0x88, s3;
	s6 =	simm.s32 @!p1 $0x1082;
	[sflag:s4] =	ssyncset.s32 $0xFFFFF086  }
0x25: {  	[simem:s6], [sflag:s4] =	dma.local [hbm:s3], $0xF7A  }
0x26: {  	[smem:$0x3F9A] =	sst s1;
	(tag) =	ssettag s2;
	_ =	strace s9  }
0x27: {  	s1 =	sld [smem:$0x3FAA]  }
0x28: {  	s2 =	sld [smem:$0x3FAB]  }
0x29: {  	s4 =	sld [smem:$0x3FAD]  }
0x2a: {  	p0 =	seq.s32 s5, $0x0;
	s5 =	sld [smem:$0x3FAE]  }
0x2b: {  	s6 =	sld [smem:$0x3FAF]  }
0x2c: {  	s7 =	sld [smem:$0x3FB0]  }
0x2d: {  	s3 =	simm.s32 $0x108;
	s8 =	sld [smem:$0x3FB1]  }
0x2e: {  	s3 =	simm.s32 @!p0 $0x1082;
	s9 =	sld [smem:$0x3FB2]  }
0x2f: {  	lr =	sadd.s32 s0, s3;
	s0 =	sld [smem:$0x3FA9]  }
0x30: {  	s3 =	sld [smem:$0x3FAC]  }
0x31: {  	[smem:$0x3FB5] =	sst s10  }
0x32: {  	s10 =	sld [smem:$0x3FB3];
	_ =	sdelay $0x3  }
0x33: {  	p0 =	seq.s32 s10, $0x1;
	s10 =	sld [smem:$0x3FB5];
	_ =	sdelay $0x3  }
0x34: {  	[smem:$0x3FB5] =	sst s10  }
0x35: {  	s10 =	sld [smem:$0x3FB4];
	_ =	sdelay $0x3  }
0x36: {  	p1 =	seq.s32 s10, $0x1;
	s10 =	sld [smem:$0x3FB5];
	_ =	sdelay $0x3  }
0x37: {  	[smem:$0x3FB5] =	sst s10  }
0x38: {  	s10 =	sld [smem:$0x3FB6]  }
0x39: {  	_ = 	snop;
	(pc) =	sbr.ind lr, $3  }
0x3a: {  	_ = 	snop  }
0x3b: {  	_ = 	snop  }
0x3c: {  	p2 =	seq.s32 s10, $0x1;
	s10 =	sld [smem:$0x3FB5]  }
0x3d: {  	_ =	shalt  }
0x3e: {  	_ =	shalt  }
0x3f: {  	_ =	shalt  }
0x40: {  	_ =	shalt  }
0x41: {  	_ =	shalt  }
0x42: {  	_ =	shalt  }
0x43: {  	_ =	shalt  }
0x44: {  	_ =	shalt  }
0x45: {  	_ =	shalt  }
0x46: {  	_ =	shalt  }
0x47: {  	_ =	shalt  }
0x48: {  	_ =	shalt  }
0x49: {  	_ =	shalt  }
0x4a: {  	_ =	shalt  }
0x4b: {  	_ =	shalt  }
0x4c: {  	_ =	shalt  }
0x4d: {  	_ =	shalt  }
0x4e: {  	_ =	shalt  }
0x4f: {  	_ =	shalt  }
0x50: {  	_ =	shalt  }
0x51: {  	_ =	shalt  }
0x52: {  	_ =	shalt  }
0x53: {  	_ =	shalt  }
0x54: {  	_ =	shalt  }
0x55: {  	_ =	shalt  }
0x56: {  	_ =	shalt  }
0x57: {  	_ =	shalt  }
0x58: {  	_ =	shalt  }
0x59: {  	_ =	shalt  }
0x5a: {  	_ =	shalt  }
0x5b: {  	_ =	shalt  }
0x5c: {  	_ =	shalt  }
0x5d: {  	_ =	shalt  }
0x5e: {  	_ =	shalt  }
0x5f: {  	_ =	shalt  }
0x60: {  	_ =	shalt  }
0x61: {  	_ =	shalt  }
0x62: {  	_ =	shalt  }
0x63: {  	_ =	shalt  }
0x64: {  	_ =	shalt  }
0x65: {  	_ =	shalt  }
0x66: {  	_ =	shalt  }
0x67: {  	_ =	shalt  }
0x68: {  	_ =	shalt  }
0x69: {  	_ =	shalt  }
0x6a: {  	_ =	shalt  }
0x6b: {  	_ =	shalt  }
0x6c: {  	_ =	shalt  }
0x6d: {  	_ =	shalt  }
0x6e: {  	_ =	shalt  }
0x6f: {  	_ =	shalt  }
0x70: {  	_ =	shalt  }
0x71: {  	_ =	shalt  }
0x72: {  	_ =	shalt  }
0x73: {  	_ =	shalt  }
0x74: {  	_ =	shalt  }
0x75: {  	_ =	shalt  }
0x76: {  	_ =	shalt  }
0x77: {  	_ =	shalt  }
0x78: {  	_ =	shalt  }
0x79: {  	_ =	shalt  }
0x7a: {  	_ =	shalt  }
0x7b: {  	_ =	shalt  }
0x7c: {  	_ =	shalt  }
0x7d: {  	_ =	shalt  }
0x7e: {  	_ =	shalt  }
0x7f: {  	_ =	shalt  }
0x80: {  	_ =	shalt  }
0x81: {  	_ =	shalt  }
0x82: {  	_ =	shalt  }
0x83: {  	_ =	shalt  }
0x84: {  	_ =	shalt  }
0x85: {  	_ =	shalt  }
0x86: {  	_ =	shalt  }
0x87: {  	_ =	shalt  }
.Lfunc_end0:
.L_simem_size_0:
called_computation.3_lowered:
.L_overlay_start_0:
0x88: {  	s2 =	sld [smem:$0x3FD9]  }
0x89: {  	s3 =	sld [smem:$0x3FFE];
	_ =	sdelay $0x1  }
0x8a: {  	s1 =	srdreg.scid  }
0x8b: {  	s0 =	sand.u32 $0x1, s1  }
0x8c: {  	s16 =	sshll.u32 s0, $0xA;
	s2 =	sadd.s32 s3, s2  }
0x8d: {  	s2 =	sadd.s32 s2, s16  }
0x8e: {  	[smem:$0x3FC1] =	sst s2  }
0x8f: {  	_ = 	snop  }
0x90: {  	(tm) =	ssettm $0x1  }
0x91: {  	s17 =	sld [smem:$0x3FFB];
	_ =	sdelay $0x3  }
0x92: {  	_ =	strace s17  }
0x93: {  	s2 =	sld [smem:$0x3FFC];
	_ =	sdelay $0x3  }
0x94: {  	_ =	strace s2  }
0x95: {  	s2 =	sld [smem:$0x3FFD];
	_ =	sdelay $0x3  }
0x96: {  	_ =	strace s2  }
0x97: {  	_ =	strace $0x8FFFFFFF  }
0x98: {  	s18 =	sld [smem:$0x3FDB];
	_ =	sdelay $0x1  }
0x99: {  	s19 =	simm.s32 $_scs_section_size  }
0x9a: {  	s4 =	simm.s32 $_size__tile_overlayer_lowered;
	s5 =	simm.s32 $_tile_overlayer_lowered  }
0x9b: {  	s22 =	simm.s32 $0x1BFF;
	s21 =	sshll.u32 s5, $0x1;
	s2 =	sadd.s32 s19, s18  }
0x9c: {  	s6 =	simm.s32 $0x0;
	s20 =	sshll.u32 s4, $0x1;
	s4 =	sadd.s32 s21, s2  }
0x9d: {  	[timem:s6], [sflag:s22] =	dma.local [hbm:s4], s20  }
0x9e: {  	_ =	swait.ge [sflag:s22], s20  }
0x9f: {  	s3 =	ssub.s32 $0x0, s20;
	[sflag:s22] =	ssyncset.done $0x0  }
0xa0: {  	[sflag:s22] =	ssyncadd.s32 s3;
	_ =	sdelay $0x1  }
0xa1: {  	s23 =	simm.s32 $0x1B8B  }
0xa2: {  	_ =	swait.ge [sflag:s23], $0x1  }
0xa3: {  	[sflag:s23] =	ssyncset.done $0x0  }
0xa4: {  	s25 =	simm.s32 $0x1B8E;
	s24 =	sld [smem:$0x3FFE];
	[sflag:s23] =	ssyncadd.s32 $0xFFFFFFFF  }
0xa5: {  	s26 =	simm.s32 $execute0_lowered;
	[smem:$0x3FD2] =	sst s25  }
0xa6: {  	s4 =	sshll.u32 s26, $0x1;
	_ =	strace $0x80000046;
	[dreg:$0x1] =	wrdreg $0xFFFFFFFF  }
0xa7: {  	s28 =	simm.s32 $_size_execute0_lowered;
	s2 =	sadd.s32 s2, s4;
	[dreg:$0x0] =	wrdreg $0x0  }
0xa8: {  	s4 =	sshll.u32 s28, $0x1;
	[dreg:$0x2] =	wrdreg s2  }
0xa9: {  	[dreg:$0x3] =	wrdreg s4  }
0xaa: {  	[dreg:$0x4] =	wrdreg $0xC0  }
0xab: {  	_ =	task [dreg:s6], $0x5FFFF  }
0xac: {  	[dreg:$0x1] =	wrdreg $0xFFFFFFFF  }
0xad: {  	[dreg:$0x0] =	wrdreg $0x60  }
0xae: {  	[dreg:$0x2] =	wrdreg s24  }
0xaf: {  	[dreg:$0x3] =	wrdreg $0xC  }
0xb0: {  	_ =	task.clear_ibuf [dreg:s6], $0x4FFFF;
	_ =	strace $0x90000046  }
0xb1: {  	s29 =	simm.s32 $0xC;
	_ =	strace $0x80000048  }
0xb2: {  	_ =	swait.ge [sflag:s29], $0x1  }
0xb3: {  	[sflag:s29] =	ssyncadd.s32 $0xFFFFFFFF  }
0xb4: {  	_ =	strace $0x90000048  }
0xb5: {  	_ =	sfence  }
0xb6: {  	s30 =	sld [smem:$0x0];
	_ =	sdelay $0x2  }
0xb7: {  	s31 =	sshll.u32 s1, $0xD;
	s1 =	sshrl.u32 s1, $0x2  }
0xb8: {  	s3 =	sand.u32 $0x4000, s31;
	s1 =	sadd.s32 s1, s30  }
0xb9: {  	s0 =	sor.u32 s3, s0;
	s1 =	sshll.u32 s1, $0x11  }
0xba: {  	s0 =	sor.u32 s1, s0  }
0xbb: {  	s0 =	sadd.s32 $0x8F2B, s0  }
0xbc: {  	[sflag:s0] =	ssyncadd.remote.s32 $0x1  }
0xbd: {  	_ =	sfence.sel $0xFFFF  }
0xbe: {  	[dreg:$0x0] =	wrdreg $0xFFFFFFFF;
	(pc) =	sbr.abs _section_cstart, $3  }
0xbf: {  	[dreg:$0x1] =	wrdreg $0xFFFFFFFF  }
0xc0: {  	_ =	task.clear_ibuf [dreg:s6], $0x2FFFF;
	_ =	strace $0x9FFFFFFF  }
0xc1: {  	(tm) =	ssettm $0x7FFFFFFF  }
tec
execute0_lowered:
.L_overlay_start_1:
0x0: {  	(tag) =	ssettag $0x1  }
0x1: {  	s4 =	rddreg [dreg:$0x0]  }
0x2: {  	s0 =	rddreg [dreg:$0x1];
	s2 =	simm.s32 $0x0;
	s3 =	srdreg.scid  }
0x3: {  	s1 =	stileid.u32;
	s10 =	simm.s32 $0x0;
	[smem:$0x7FF] =	sst s2  }
0x4: {  	s5 =	sand.u32 $0x1, s3;
	s6 =	sshll.u32 s1, $0xC;
	s3 =	sadd.s32 $0x3400, s4  }
0x5: {  	s8 =	sshll.u32 s1, $0x10;
	_ =	strace $0x80000047;
	s7 =	sshll.u32 s5, $0xB  }
0x6: {  	s31 =	ssub.s32 $0x2, s5;
	s8 =	sadd.s32 s8, s4;
	s5 =	sshll.u32 s5, $0xF  }
0x7: {  	s6 =	sor.u32 s7, s6;
	s9 =	sshrl.u32 s31, $0x1;
	s5 =	sadd.s32 s5, s8  }
0x8: {  	s8 =	simm.s32 $0x80;
	s6 =	sshrl.u32 s6, $0x3;
	s7 =	ssub.s32 s31, s9  }
0x9: {  	s5 =	sadd.s32 $0x15400, s5;
	s9 =	simm.s32 $0x1;
	s6 =	sadd.s32 s6, s4  }
0xa: {  	s4 =	smax.u32 s7, $0x1;
	s7 =	simm.s32 $0x2;
	s6 =	sadd.s32 $0x13400, s6  }
.LBB2_1:
0xb: {  	s11 =	sadd.s32 $0x0, s6  }
0xc: {  	[tilespmem:s2], [sflag:$0x2] =	stream.linear.gather [hbm4b:s11+s2], $0x80, $0x38;
	[tilespmem:$0x4080] =	vst v63  }
0xd: {  	_ =	swait.ge [sflag:s7], $0x80  }
0xe: {  	[sflag:s7] =	ssyncset.done $0x0  }
0xf: {  	[sflag:s7] =	ssyncadd.s32 $0xFFFFFF80  }
0x10: {  	[tilespmem:s8], [sflag:$0x1] =	stream.indirect.gather [hbm4b:s3+s8], $0x80, s2, s8, $0xb8;
	[tilespmem:$0x4080] =	vst v63  }
0x11: {  	_ =	swait.ge [sflag:s9], $0x4000  }
0x12: {  	[sflag:s9] =	ssyncset.done $0x0  }
0x13: {  	[sflag:s9] =	ssyncadd.s32 $0xFFFFC000  }
0x14: {  	[hbm4b:s5+s2] =	stream.linear.scatter [tilespmem:s8], [sflag:$0x2], $0x4000, $0x38;
	[tilespmem:$0x4080] =	vst v63  }
0x15: {  	s12 =	simm.s32 $0x10;
	_ =	swait.ge [sflag:s7], $0x4000  }
0x16: {  	s13 =	simm.s32 $0x20;
	s11 =	sadd.s32 $0x800, s5;
	[sflag:s7] =	ssyncset.done $0x0  }
.LBB2_2:
0x17: {  	s14 =	sadd.s32 s12, s6  }
0x18: {  	[sflag:s7] =	ssyncadd.s32 $0xFFFFC000;
	s12 =	smov.u32 s13;
	s15 =	sadd.s32 $0x10, s13  }
0x19: {  	[tilespmem:s2], [sflag:$0x2] =	stream.linear.gather [hbm4b:s14+s2], $0x80, $0x38;
	[tilespmem:$0x4080] =	vst v63  }
0x1a: {  	p0 =	sne.s32 s13, $0xF0;
	_ =	swait.ge [sflag:s7], $0x80  }
0x1b: {  	[sflag:s7] =	ssyncset.done $0x0  }
0x1c: {  	[sflag:s7] =	ssyncadd.s32 $0xFFFFFF80  }
0x1d: {  	[tilespmem:s8], [sflag:$0x1] =	stream.indirect.gather [hbm4b:s3+s8], $0x80, s2, s8, $0xb8;
	[tilespmem:$0x4080] =	vst v63  }
0x1e: {  	_ =	swait.ge [sflag:s9], $0x4000  }
.Ltmp0:
0x1f: {  	[sflag:s9] =	ssyncset.done $0x0;
	(pc) =	sbr.rel @p0 .LBB2_2-.Ltmp0, $4  }
0x20: {  	[sflag:s9] =	ssyncadd.s32 $0xFFFFC000  }
0x21: {  	[hbm4b:s11+s2] =	stream.linear.scatter [tilespmem:s8], [sflag:$0x2], $0x4000, $0x38;
	[tilespmem:$0x4080] =	vst v63  }
0x22: {  	_ =	swait.ge [sflag:s7], $0x4000  }
0x23: {  	s13 =	smov.u32 s15;
	s11 =	sadd.s32 $0x800, s11;
	[sflag:s7] =	ssyncset.done $0x0  }
0x24: {  	s12 =	sadd.s32 s12, s6;
	[sflag:s7] =	ssyncadd.s32 $0xFFFFC000  }
0x25: {  	[tilespmem:s2], [sflag:$0x2] =	stream.linear.gather [hbm4b:s12+s2], $0x80, $0x38;
	[tilespmem:$0x4080] =	vst v63  }
0x26: {  	_ =	swait.ge [sflag:s7], $0x80  }
0x27: {  	[sflag:s7] =	ssyncset.done $0x0  }
0x28: {  	[sflag:s7] =	ssyncadd.s32 $0xFFFFFF80  }
0x29: {  	[tilespmem:s8], [sflag:$0x1] =	stream.indirect.gather [hbm4b:s3+s8], $0x80, s2, s8, $0xb8;
	[tilespmem:$0x4080] =	vst v63  }
0x2a: {  	s10 =	sadd.s32 $0x1, s10;
	_ =	swait.ge [sflag:s9], $0x4000  }
0x2b: {  	p0 =	sne.s32 s10, s4;
	[sflag:s9] =	ssyncset.done $0x0  }
.Ltmp1:
0x2c: {  	[sflag:s9] =	ssyncadd.s32 $0xFFFFC000;
	(pc) =	sbr.rel @p0 .LBB2_1-.Ltmp1, $4  }
0x2d: {  	[hbm4b:s11+s2] =	stream.linear.scatter [tilespmem:s8], [sflag:$0x2], $0x4000, $0x38;
	[tilespmem:$0x4080] =	vst v63  }
0x2e: {  	_ =	swait.ge [sflag:s7], $0x4000  }
0x2f: {  	[sflag:s7] =	ssyncset.done $0x0  }
0x30: {  	[sflag:s7] =	ssyncadd.s32 $0xFFFFC000  }
0x31: {  	_ =	sfence.sel $0x180000  }
0x32: {  	[bflag:$0x0] =	sbarrier.arrive $0xFFFF  }
0x33: {  	p0 =	sne.s32 s1, $0x0;
	_ =	strace $0x90000047  }
0x34: {  	s0 =	sadd.s32 @!p0 $0x100000, s0;
	[bflag:$0x2] =	sbarrier.arrive $0xFFFF  }
0x35: {  	[sflag:s0] =	ssyncadd.tile.s32 @!p0 $0x1;
	_ =	shalt  }
.Lfunc_end2:
_tile_overlayer_lowered:
.L_overlay_start_2:
0x36: {  	(tag) =	ssettag $0x2  }
0x37: {  	s0 =	rddreg [dreg:$0x0];
	s2 =	stileid.u32  }
0x38: {  	s1 =	rddreg [dreg:$0x1];
	p0 =	sne.s32 s2, $0x0  }
0x39: {  	s3 =	rddreg [dreg:$0x2];
	[bflag:$0x3] =	sbarrier.arrive $0xFFFF;
	s2 =	simm.s32 @!p0 $0x1C02  }
0x3a: {  	[timem:s3], [sflag:s2] =	dma.local @!p0 [hbm:s0], s1  }
0x3b: {  	s0 =	simm.s32 @!p0 $0x2  }
0x3c: {  	_ =	swait.ge @!p0 [sflag:s0], s1  }
0x3d: {  	s1 =	ssub.s32 @!p0 $0x0, s1;
	[sflag:s0] =	ssyncset.done @!p0 $0x0  }
0x3e: {  	[sflag:s0] =	ssyncadd.s32 @!p0 s1  }
0x3f: {  	[bflag:$0x3] =	sbarrier.arrive $0xFFFF  }
0x40: {  	_ =	shalt  }

</sc_bundles>
